<compile_context>
chip_gen: v7x
topology: tpu7x:2x2x1
jax: 0.10.2.dev20260603
libtpu: 0.0.44.dev20260713+nightly
codegen_flags: <defaults>
</compile_context>

<pallas_src>
import functools

import jax
import jax.numpy as jnp
from jax import lax
from jax.experimental import pallas as pl
from jax.experimental.pallas import tpu as pltpu
from jax.experimental.pallas import tpu_sc as plsc

N_FEATURES = 26
FEATURE_SIZE = 100000
EMB_DIM = 32
BATCH = 16384
HB = BATCH // 2
TW = 100352
QS = 16384
ROUNDS = [16384] * 6 + [2048]
TABLE_COLS = N_FEATURES * FEATURE_SIZE

_INFO = plsc.get_sparse_core_info()
NC = _INFO.num_cores
NS = _INFO.num_subcores


TAIL = TABLE_COLS // 128 * 128
C0MAX = TAIL - TW


@functools.partial(
    pl.kernel,
    mesh=plsc.VectorSubcoreMesh(core_axis_name="c", subcore_axis_name="s"),
    out_type=jax.ShapeDtypeStruct((N_FEATURES, EMB_DIM, BATCH), jnp.float32),
    scratch_types=[
        pltpu.VMEM_SHARED((8, QS), jnp.float32),
        pltpu.VMEM_SHARED((8, HB), jnp.float32),
        pltpu.VMEM((TW,), jnp.float32),
        pltpu.VMEM((32, 128), jnp.int32),
        pltpu.VMEM((HB,), jnp.float32),
        pltpu.VMEM((EMB_DIM, 128), jnp.float32),
    ],
    compiler_params=pltpu.CompilerParams(
        use_tc_tiling_on_sc=True, needs_layout_passes=False
    ),
)
def _lookup_kernel(ids_hbm, table_hbm, tail_hbm, out_hbm,
                   sp_tab, sp_out, col_v, ids_v, val_v, tail_v):
    cid = lax.axis_index("c")
    sid = lax.axis_index("s")
    srow = lax.rem(sid, 8)
    hh0 = (sid // 8) * (HB // 128)
    pltpu.sync_copy(tail_hbm, tail_v)

    def per_feature(t, carry):
        c0 = jnp.minimum(t * FEATURE_SIZE // 128 * 128, C0MAX)
        loff = t * FEATURE_SIZE - c0
        tail_lo = TAIL - t * FEATURE_SIZE

        for g in range(2):
            row0 = pl.multiple_of(cid * 16 + g * 8, 8)
            col = cid * 16 + g * 8 + srow

            q0 = 0
            for rw in ROUNDS:
                pw = rw // 16
                poff = sid * pw
                pltpu.sync_copy(
                    table_hbm.at[pl.ds(row0, 8),
                                 pl.ds(pl.multiple_of(c0 + q0 + poff, 128),
                                       pw)],
                    sp_tab.at[pl.ds(0, 8), pl.ds(pl.multiple_of(poff, 128),
                                                 pw)])
                plsc.subcore_barrier()
                pltpu.sync_copy(sp_tab.at[srow, pl.ds(0, rw)],
                                col_v.at[pl.ds(q0, rw)])
                plsc.subcore_barrier()
                q0 += rw

            for qq in range(2):
                pltpu.sync_copy(
                    ids_hbm.at[pl.ds(
                        pl.multiple_of(t * 128 + hh0 + qq * 32, 8), 32)],
                    ids_v)

                def vec(k, inner):
                    sl = pl.ds(qq * (HB // 2) + k * 16, 16)
                    ids16 = ids_v[k // 8, pl.ds((k % 8) * 16, 16)]
                    v = plsc.load_gather(
                        col_v, [jnp.minimum(ids16 + loff, TW - 1)])
                    tloc = jnp.maximum(ids16 - tail_lo, 0)
                    tv = plsc.load_gather(
                        tail_v, [jnp.broadcast_to(col, (16,)), tloc])
                    v = jnp.where(ids16 >= tail_lo, tv, v)
                    val_v[sl] = v
                    return inner

                lax.fori_loop(0, HB // 32, vec, 0)
            for hh in range(2):
                @pl.when(sid // 8 == hh)
                def _push():
                    pltpu.sync_copy(val_v, sp_out.at[srow])

                plsc.subcore_barrier()

                @pl.when(sid == 0)
                def _flush():
                    pltpu.sync_copy(
                        sp_out,
                        out_hbm.at[t, pl.ds(row0, 8), pl.ds(hh * HB, HB)])

                plsc.subcore_barrier()
        return carry

    lax.fori_loop(0, N_FEATURES, per_feature, 0)


def kernel(feature_ids, embed_weight):
    tail = jnp.pad(embed_weight[TAIL:].T, ((0, 0), (0, 128 - (TABLE_COLS - TAIL))))
    ids3 = feature_ids.T.reshape(N_FEATURES * 128, 128)
    out = _lookup_kernel(ids3, embed_weight.T, tail)
    return out.transpose(2, 0, 1)

# --- scband reference (transcript-rebuilt; emitter-appended) ---
"""Pipeline reference for scband-composite-sanembedding-20925080666205 (READ-ONLY COPY).

The authoritative reference and input builder live on the scoring server;
editing this copy changes nothing except your own understanding.
"""

import jax, jax.numpy as jnp
import numpy as np

N_FEATURES = 26
FEATURE_SIZE = 100000
ROWS_PER_FEATURE = 2
W_DIM = 16
EMB_DIM = ROWS_PER_FEATURE * W_DIM
TOTAL_ROWS = N_FEATURES * FEATURE_SIZE
BATCH = 16384


def setup_inputs(seed: int = 0) -> dict:
    key = jax.random.key(seed)
    k1, k2 = jax.random.split(key)
    feature_ids = jax.random.randint(k1, (BATCH, N_FEATURES), 0, FEATURE_SIZE, dtype=jnp.int64 if jax.config.jax_enable_x64 else jnp.int32).astype(jnp.int32)
    embed_weight = jax.random.normal(k2, (TOTAL_ROWS, EMB_DIM), dtype=jnp.float32)
    return {"feature_ids": feature_ids, "embed_weight": embed_weight}


def reference(feature_ids, embed_weight):
    # per-feature offsets: cumulative sum of preceding feature sizes
    offsets = (jnp.arange(N_FEATURES, dtype=feature_ids.dtype) * FEATURE_SIZE)
    ids = feature_ids + offsets[None, :]
    e = jnp.take(embed_weight, ids, axis=0)  # [B, T, rows_per_feature*w_dim]
    B, T = e.shape[0], e.shape[1]
    return e.reshape(B, T, -1)

if __name__ == "__main__":
    import jax
    _d = setup_inputs()
    print(jax.jit(kernel)(*tuple(_d.values())))

</pallas_src>

<mosaic_0001>
#map = affine_map<(d0, d1) -> (0, 0)>
#map1 = affine_map<(d0, d1) -> (0, 0, 0)>
module attributes {stable_mosaic.version = 14 : i64} {
  func.func @_lookup_kernel(%arg0: i32, %arg1: i32, %arg2: memref<3328x128xi32, #tpu.memory_space<hbm>>, %arg3: memref<32x2600000xf32, #tpu.memory_space<hbm>>, %arg4: memref<32x128xf32, #tpu.memory_space<hbm>>, %arg5: memref<26x32x16384xf32, #tpu.memory_space<hbm>>, %arg6: memref<8x16384xf32, #tpu.memory_space<vmem_shared>>, %arg7: memref<8x8192xf32, #tpu.memory_space<vmem_shared>>, %arg8: memref<100352xf32, #tpu.memory_space<vmem>>, %arg9: memref<32x128xi32, #tpu.memory_space<vmem>>, %arg10: memref<8192xf32, #tpu.memory_space<vmem>>, %arg11: memref<32x128xf32, #tpu.memory_space<vmem>>) attributes {dimension_semantics = [#tpu.dimension_semantics<core_parallel>, #tpu.dimension_semantics<subcore_parallel>], iteration_bounds = array<i64: 2, 16>, scalar_prefetch = 0 : i64, scratch_operands = 6 : i64, tpu.core_type = #tpu.core_type<sc_vector_subcore>, window_params = [{transform_indices = #map}, {transform_indices = #map}, {transform_indices = #map}, {transform_indices = #map1}]} {
    %rem3A = arith.constant 8 : i32
    %rem3A_0 = arith.remsi %arg1, %rem3A : i32
    %jit3A = arith.constant 8 : i32
    %div3A = arith.divsi %arg1, %jit3A : i32
    %sign3A = arith.constant 0 : i32
    %sign3A_1 = arith.cmpi sgt, %arg1, %sign3A : i32
    %sign3A_2 = arith.extui %sign3A_1 : i1 to i32
    %sign3A_3 = arith.constant 0 : i32
    %sign3A_4 = arith.cmpi slt, %arg1, %sign3A_3 : i32
    %sign3A_5 = arith.extui %sign3A_4 : i1 to i32
    %sign3A_6 = arith.subi %sign3A_2, %sign3A_5 : i32
    %sign3A_7 = arith.constant 0 : i32
    %sign3A_8 = arith.cmpi sgt, %jit3A, %sign3A_7 : i32
    %sign3A_9 = arith.extui %sign3A_8 : i1 to i32
    %sign3A_10 = arith.constant 0 : i32
    %sign3A_11 = arith.cmpi slt, %jit3A, %sign3A_10 : i32
    %sign3A_12 = arith.extui %sign3A_11 : i1 to i32
    %sign3A_13 = arith.subi %sign3A_9, %sign3A_12 : i32
    %ne3A = arith.cmpi ne, %sign3A_6, %sign3A_13 : i32
    %rem3A_14 = arith.remsi %arg1, %jit3A : i32
    %ne3A_15 = arith.constant 0 : i32
    %ne3A_16 = arith.cmpi ne, %rem3A_14, %ne3A_15 : i32
    %and3A = arith.andi %ne3A, %ne3A_16 : i1
    %sub3A = arith.constant 1 : i32
    %sub3A_17 = arith.subi %div3A, %sub3A : i32
    %select_n3A = arith.select %and3A, %sub3A_17, %div3A : i32
    %mul3A = arith.constant 64 : i32
    %mul3A_18 = arith.muli %select_n3A, %mul3A : i32
    "tpu.region"() ({
      %run_scoped3A = tpu.sem_alloc : memref<!tpu.dma_semaphore, #tpu.memory_space<semaphore_mem>>
      tpu.enqueue_dma source(%arg4 : memref<32x128xf32, #tpu.memory_space<hbm>>) target(%arg11 : memref<32x128xf32, #tpu.memory_space<vmem>>) target_semaphore(%run_scoped3A : memref<!tpu.dma_semaphore, #tpu.memory_space<semaphore_mem>>)
      tpu.wait_dma2 semaphore(%run_scoped3A : memref<!tpu.dma_semaphore, #tpu.memory_space<semaphore_mem>>) src(%arg4 : memref<32x128xf32, #tpu.memory_space<hbm>>) dst(%arg11 : memref<32x128xf32, #tpu.memory_space<vmem>>)
      tpu.yield
    }) : () -> ()
    %scan3A = arith.constant 0 : i32
    %scan3A_19 = arith.constant 0 : i32
    %scan3A_20 = arith.constant 26 : i32
    %scan3A_21 = arith.addi %scan3A_19, %scan3A_20 : i32
    %scan3A_22 = arith.constant 1 : i32
    scf.for %scan3A_24 = %scan3A_19 to %scan3A_21 step %scan3A_22  : i32 {
      %mul3A_25 = arith.constant 100000 : i32
      %mul3A_26 = arith.muli %scan3A_24, %mul3A_25 : i32
      %jit3A_27 = arith.constant 128 : i32
      %div3A_28 = arith.divsi %mul3A_26, %jit3A_27 : i32
      %sign3A_29 = arith.constant 0 : i32
      %sign3A_30 = arith.cmpi sgt, %mul3A_26, %sign3A_29 : i32
      %sign3A_31 = arith.extui %sign3A_30 : i1 to i32
      %sign3A_32 = arith.constant 0 : i32
      %sign3A_33 = arith.cmpi slt, %mul3A_26, %sign3A_32 : i32
      %sign3A_34 = arith.extui %sign3A_33 : i1 to i32
      %sign3A_35 = arith.subi %sign3A_31, %sign3A_34 : i32
      %sign3A_36 = arith.constant 0 : i32
      %sign3A_37 = arith.cmpi sgt, %jit3A_27, %sign3A_36 : i32
      %sign3A_38 = arith.extui %sign3A_37 : i1 to i32
      %sign3A_39 = arith.constant 0 : i32
      %sign3A_40 = arith.cmpi slt, %jit3A_27, %sign3A_39 : i32
      %sign3A_41 = arith.extui %sign3A_40 : i1 to i32
      %sign3A_42 = arith.subi %sign3A_38, %sign3A_41 : i32
      %ne3A_43 = arith.cmpi ne, %sign3A_35, %sign3A_42 : i32
      %rem3A_44 = arith.remsi %mul3A_26, %jit3A_27 : i32
      %ne3A_45 = arith.constant 0 : i32
      %ne3A_46 = arith.cmpi ne, %rem3A_44, %ne3A_45 : i32
      %and3A_47 = arith.andi %ne3A_43, %ne3A_46 : i1
      %sub3A_48 = arith.constant 1 : i32
      %sub3A_49 = arith.subi %div3A_28, %sub3A_48 : i32
      %select_n3A_50 = arith.select %and3A_47, %sub3A_49, %div3A_28 : i32
      %mul3A_51 = arith.constant 128 : i32
      %mul3A_52 = arith.muli %select_n3A_50, %mul3A_51 : i32
      %min3A = arith.constant 2499584 : i32
      %min3A_53 = arith.minsi %mul3A_52, %min3A : i32
      %mul3A_54 = arith.constant 100000 : i32
      %mul3A_55 = arith.muli %scan3A_24, %mul3A_54 : i32
      %sub3A_56 = arith.subi %mul3A_55, %min3A_53 : i32
      %mul3A_57 = arith.constant 100000 : i32
      %mul3A_58 = arith.muli %scan3A_24, %mul3A_57 : i32
      %sub3A_59 = arith.constant 2599936 : i32
      %sub3A_60 = arith.subi %sub3A_59, %mul3A_58 : i32
      %mul3A_61 = arith.constant 16 : i32
      %mul3A_62 = arith.muli %arg0, %mul3A_61 : i32
      %add3A = arith.constant 0 : i32
      %add3A_63 = arith.addi %mul3A_62, %add3A : i32
      %multiple_of3A = tpu.assume_multiple %add3A_63, 8 : i32
      %mul3A_64 = arith.constant 16 : i32
      %mul3A_65 = arith.muli %arg0, %mul3A_64 : i32
      %add3A_66 = arith.constant 0 : i32
      %add3A_67 = arith.addi %mul3A_65, %add3A_66 : i32
      %add3A_68 = arith.addi %add3A_67, %rem3A_0 : i32
      %mul3A_69 = arith.constant 1024 : i32
      %mul3A_70 = arith.muli %arg1, %mul3A_69 : i32
      %add3A_71 = arith.constant 0 : i32
      %add3A_72 = arith.addi %min3A_53, %add3A_71 : i32
      %add3A_73 = arith.addi %add3A_72, %mul3A_70 : i32
      %multiple_of3A_74 = tpu.assume_multiple %add3A_73, 128 : i32
      %multiple_of3A_75 = tpu.assume_multiple %mul3A_70, 128 : i32
      "tpu.region"() ({
        %run_scoped3A = tpu.sem_alloc : memref<!tpu.dma_semaphore, #tpu.memory_space<semaphore_mem>>
        %dma_start3A = arith.constant 0 : i32
        %dma_start3A_393 = tpu.memref_slice %arg6[%dma_start3A, %multiple_of3A_75] : memref<8x16384xf32, #tpu.memory_space<vmem_shared>> -> memref<8x1024xf32, #tpu.memory_space<vmem_shared>>
        %dma_start3A_394 = tpu.memref_slice %arg3[%multiple_of3A, %multiple_of3A_74] : memref<32x2600000xf32, #tpu.memory_space<hbm>> -> memref<8x1024xf32, #tpu.memory_space<hbm>>
        tpu.enqueue_dma source(%dma_start3A_394 : memref<8x1024xf32, #tpu.memory_space<hbm>>) target(%dma_start3A_393 : memref<8x1024xf32, #tpu.memory_space<vmem_shared>>) target_semaphore(%run_scoped3A : memref<!tpu.dma_semaphore, #tpu.memory_space<semaphore_mem>>)
        %dma_wait3A = arith.constant 0 : i32
        %dma_wait3A_395 = tpu.memref_slice %arg6[%dma_wait3A, %multiple_of3A_75] : memref<8x16384xf32, #tpu.memory_space<vmem_shared>> -> memref<8x1024xf32, #tpu.memory_space<vmem_shared>>
        %dma_wait3A_396 = tpu.memref_slice %arg3[%multiple_of3A, %multiple_of3A_74] : memref<32x2600000xf32, #tpu.memory_space<hbm>> -> memref<8x1024xf32, #tpu.memory_space<hbm>>
        tpu.wait_dma2 semaphore(%run_scoped3A : memref<!tpu.dma_semaphore, #tpu.memory_space<semaphore_mem>>) src(%dma_wait3A_396 : memref<8x1024xf32, #tpu.memory_space<hbm>>) dst(%dma_wait3A_395 : memref<8x1024xf32, #tpu.memory_space<vmem_shared>>)
        tpu.yield
      }) : () -> ()
      %barrier3A = arith.constant 0 : index
      tpu.barrier barrier_id(%barrier3A)
      "tpu.region"() ({
        %run_scoped3A = tpu.sem_alloc : memref<!tpu.dma_semaphore, #tpu.memory_space<semaphore_mem>>
        %dma_start3A = arith.constant 0 : i32
        %dma_start3A_393 = tpu.memref_slice %arg8[%dma_start3A] : memref<100352xf32, #tpu.memory_space<vmem>> -> memref<16384xf32, #tpu.memory_space<vmem>>
        %dma_start3A_394 = arith.constant 0 : i32
        %dma_start3A_395 = tpu.memref_slice %arg6[%rem3A_0, %dma_start3A_394] : memref<8x16384xf32, #tpu.memory_space<vmem_shared>> -> memref<1x16384xf32, #tpu.memory_space<vmem_shared>>
        %dma_start3A_396 = tpu.memref_squeeze %dma_start3A_395 : memref<1x16384xf32, #tpu.memory_space<vmem_shared>> -> memref<16384xf32, #tpu.memory_space<vmem_shared>>
        %dma_start3A_397 = arith.constant 0 : i32
        %dma_start3A_398 = tpu.memref_slice %arg8[%dma_start3A_397] : memref<100352xf32, #tpu.memory_space<vmem>> -> memref<16384xf32, #tpu.memory_space<vmem>>
        %dma_start3A_399 = arith.constant 0 : i32
        %dma_start3A_400 = tpu.memref_slice %arg6[%rem3A_0, %dma_start3A_399] : memref<8x16384xf32, #tpu.memory_space<vmem_shared>> -> memref<1x16384xf32, #tpu.memory_space<vmem_shared>>
        %dma_start3A_401 = tpu.memref_squeeze %dma_start3A_400 : memref<1x16384xf32, #tpu.memory_space<vmem_shared>> -> memref<16384xf32, #tpu.memory_space<vmem_shared>>
        tpu.enqueue_dma source(%dma_start3A_401 : memref<16384xf32, #tpu.memory_space<vmem_shared>>) target(%dma_start3A_398 : memref<16384xf32, #tpu.memory_space<vmem>>) target_semaphore(%run_scoped3A : memref<!tpu.dma_semaphore, #tpu.memory_space<semaphore_mem>>)
        %dma_wait3A = arith.constant 0 : i32
        %dma_wait3A_402 = tpu.memref_slice %arg8[%dma_wait3A] : memref<100352xf32, #tpu.memory_space<vmem>> -> memref<16384xf32, #tpu.memory_space<vmem>>
        %dma_wait3A_403 = arith.constant 0 : i32
        %dma_wait3A_404 = tpu.memref_slice %arg6[%rem3A_0, %dma_wait3A_403] : memref<8x16384xf32, #tpu.memory_space<vmem_shared>> -> memref<1x16384xf32, #tpu.memory_space<vmem_shared>>
        %dma_wait3A_405 = tpu.memref_squeeze %dma_wait3A_404 : memref<1x16384xf32, #tpu.memory_space<vmem_shared>> -> memref<16384xf32, #tpu.memory_space<vmem_shared>>
        %dma_wait3A_406 = arith.constant 0 : i32
        %dma_wait3A_407 = tpu.memref_slice %arg8[%dma_wait3A_406] : memref<100352xf32, #tpu.memory_space<vmem>> -> memref<16384xf32, #tpu.memory_space<vmem>>
        %dma_wait3A_408 = arith.constant 0 : i32
        %dma_wait3A_409 = tpu.memref_slice %arg6[%rem3A_0, %dma_wait3A_408] : memref<8x16384xf32, #tpu.memory_space<vmem_shared>> -> memref<1x16384xf32, #tpu.memory_space<vmem_shared>>
        %dma_wait3A_410 = tpu.memref_squeeze %dma_wait3A_409 : memref<1x16384xf32, #tpu.memory_space<vmem_shared>> -> memref<16384xf32, #tpu.memory_space<vmem_shared>>
        tpu.wait_dma2 semaphore(%run_scoped3A : memref<!tpu.dma_semaphore, #tpu.memory_space<semaphore_mem>>) src(%dma_wait3A_410 : memref<16384xf32, #tpu.memory_space<vmem_shared>>) dst(%dma_wait3A_407 : memref<16384xf32, #tpu.memory_space<vmem>>)
        tpu.yield
      }) : () -> ()
      %barrier3A_76 = arith.constant 0 : index
      tpu.barrier barrier_id(%barrier3A_76)
      %mul3A_77 = arith.constant 1024 : i32
      %mul3A_78 = arith.muli %arg1, %mul3A_77 : i32
      %add3A_79 = arith.constant 16384 : i32
      %add3A_80 = arith.addi %min3A_53, %add3A_79 : i32
      %add3A_81 = arith.addi %add3A_80, %mul3A_78 : i32
      %multiple_of3A_82 = tpu.assume_multiple %add3A_81, 128 : i32
      %multiple_of3A_83 = tpu.assume_multiple %mul3A_78, 128 : i32
      "tpu.region"() ({
        %run_scoped3A = tpu.sem_alloc : memref<!tpu.dma_semaphore, #tpu.memory_space<semaphore_mem>>
        %dma_start3A = arith.constant 0 : i32
        %dma_start3A_393 = tpu.memref_slice %arg6[%dma_start3A, %multiple_of3A_83] : memref<8x16384xf32, #tpu.memory_space<vmem_shared>> -> memref<8x1024xf32, #tpu.memory_space<vmem_shared>>
        %dma_start3A_394 = tpu.memref_slice %arg3[%multiple_of3A, %multiple_of3A_82] : memref<32x2600000xf32, #tpu.memory_space<hbm>> -> memref<8x1024xf32, #tpu.memory_space<hbm>>
        tpu.enqueue_dma source(%dma_start3A_394 : memref<8x1024xf32, #tpu.memory_space<hbm>>) target(%dma_start3A_393 : memref<8x1024xf32, #tpu.memory_space<vmem_shared>>) target_semaphore(%run_scoped3A : memref<!tpu.dma_semaphore, #tpu.memory_space<semaphore_mem>>)
        %dma_wait3A = arith.constant 0 : i32
        %dma_wait3A_395 = tpu.memref_slice %arg6[%dma_wait3A, %multiple_of3A_83] : memref<8x16384xf32, #tpu.memory_space<vmem_shared>> -> memref<8x1024xf32, #tpu.memory_space<vmem_shared>>
        %dma_wait3A_396 = tpu.memref_slice %arg3[%multiple_of3A, %multiple_of3A_82] : memref<32x2600000xf32, #tpu.memory_space<hbm>> -> memref<8x1024xf32, #tpu.memory_space<hbm>>
        tpu.wait_dma2 semaphore(%run_scoped3A : memref<!tpu.dma_semaphore, #tpu.memory_space<semaphore_mem>>) src(%dma_wait3A_396 : memref<8x1024xf32, #tpu.memory_space<hbm>>) dst(%dma_wait3A_395 : memref<8x1024xf32, #tpu.memory_space<vmem_shared>>)
        tpu.yield
      }) : () -> ()
      %barrier3A_84 = arith.constant 0 : index
      tpu.barrier barrier_id(%barrier3A_84)
      "tpu.region"() ({
        %run_scoped3A = tpu.sem_alloc : memref<!tpu.dma_semaphore, #tpu.memory_space<semaphore_mem>>
        %dma_start3A = arith.constant 16384 : i32
        %dma_start3A_393 = tpu.memref_slice %arg8[%dma_start3A] : memref<100352xf32, #tpu.memory_space<vmem>> -> memref<16384xf32, #tpu.memory_space<vmem>>
        %dma_start3A_394 = arith.constant 0 : i32
        %dma_start3A_395 = tpu.memref_slice %arg6[%rem3A_0, %dma_start3A_394] : memref<8x16384xf32, #tpu.memory_space<vmem_shared>> -> memref<1x16384xf32, #tpu.memory_space<vmem_shared>>
        %dma_start3A_396 = tpu.memref_squeeze %dma_start3A_395 : memref<1x16384xf32, #tpu.memory_space<vmem_shared>> -> memref<16384xf32, #tpu.memory_space<vmem_shared>>
        %dma_start3A_397 = arith.constant 16384 : i32
        %dma_start3A_398 = tpu.memref_slice %arg8[%dma_start3A_397] : memref<100352xf32, #tpu.memory_space<vmem>> -> memref<16384xf32, #tpu.memory_space<vmem>>
        %dma_start3A_399 = arith.constant 0 : i32
        %dma_start3A_400 = tpu.memref_slice %arg6[%rem3A_0, %dma_start3A_399] : memref<8x16384xf32, #tpu.memory_space<vmem_shared>> -> memref<1x16384xf32, #tpu.memory_space<vmem_shared>>
        %dma_start3A_401 = tpu.memref_squeeze %dma_start3A_400 : memref<1x16384xf32, #tpu.memory_space<vmem_shared>> -> memref<16384xf32, #tpu.memory_space<vmem_shared>>
        tpu.enqueue_dma source(%dma_start3A_401 : memref<16384xf32, #tpu.memory_space<vmem_shared>>) target(%dma_start3A_398 : memref<16384xf32, #tpu.memory_space<vmem>>) target_semaphore(%run_scoped3A : memref<!tpu.dma_semaphore, #tpu.memory_space<semaphore_mem>>)
        %dma_wait3A = arith.constant 16384 : i32
        %dma_wait3A_402 = tpu.memref_slice %arg8[%dma_wait3A] : memref<100352xf32, #tpu.memory_space<vmem>> -> memref<16384xf32, #tpu.memory_space<vmem>>
        %dma_wait3A_403 = arith.constant 0 : i32
        %dma_wait3A_404 = tpu.memref_slice %arg6[%rem3A_0, %dma_wait3A_403] : memref<8x16384xf32, #tpu.memory_space<vmem_shared>> -> memref<1x16384xf32, #tpu.memory_space<vmem_shared>>
        %dma_wait3A_405 = tpu.memref_squeeze %dma_wait3A_404 : memref<1x16384xf32, #tpu.memory_space<vmem_shared>> -> memref<16384xf32, #tpu.memory_space<vmem_shared>>
        %dma_wait3A_406 = arith.constant 16384 : i32
        %dma_wait3A_407 = tpu.memref_slice %arg8[%dma_wait3A_406] : memref<100352xf32, #tpu.memory_space<vmem>> -> memref<16384xf32, #tpu.memory_space<vmem>>
        %dma_wait3A_408 = arith.constant 0 : i32
        %dma_wait3A_409 = tpu.memref_slice %arg6[%rem3A_0, %dma_wait3A_408] : memref<8x16384xf32, #tpu.memory_space<vmem_shared>> -> memref<1x16384xf32, #tpu.memory_space<vmem_shared>>
        %dma_wait3A_410 = tpu.memref_squeeze %dma_wait3A_409 : memref<1x16384xf32, #tpu.memory_space<vmem_shared>> -> memref<16384xf32, #tpu.memory_space<vmem_shared>>
        tpu.wait_dma2 semaphore(%run_scoped3A : memref<!tpu.dma_semaphore, #tpu.memory_space<semaphore_mem>>) src(%dma_wait3A_410 : memref<16384xf32, #tpu.memory_space<vmem_shared>>) dst(%dma_wait3A_407 : memref<16384xf32, #tpu.memory_space<vmem>>)
        tpu.yield
      }) : () -> ()
      %barrier3A_85 = arith.constant 0 : index
      tpu.barrier barrier_id(%barrier3A_85)
      %mul3A_86 = arith.constant 1024 : i32
      %mul3A_87 = arith.muli %arg1, %mul3A_86 : i32
      %add3A_88 = arith.constant 32768 : i32
      %add3A_89 = arith.addi %min3A_53, %add3A_88 : i32
      %add3A_90 = arith.addi %add3A_89, %mul3A_87 : i32
      %multiple_of3A_91 = tpu.assume_multiple %add3A_90, 128 : i32
      %multiple_of3A_92 = tpu.assume_multiple %mul3A_87, 128 : i32
      "tpu.region"() ({
        %run_scoped3A = tpu.sem_alloc : memref<!tpu.dma_semaphore, #tpu.memory_space<semaphore_mem>>
        %dma_start3A = arith.constant 0 : i32
        %dma_start3A_393 = tpu.memref_slice %arg6[%dma_start3A, %multiple_of3A_92] : memref<8x16384xf32, #tpu.memory_space<vmem_shared>> -> memref<8x1024xf32, #tpu.memory_space<vmem_shared>>
        %dma_start3A_394 = tpu.memref_slice %arg3[%multiple_of3A, %multiple_of3A_91] : memref<32x2600000xf32, #tpu.memory_space<hbm>> -> memref<8x1024xf32, #tpu.memory_space<hbm>>
        tpu.enqueue_dma source(%dma_start3A_394 : memref<8x1024xf32, #tpu.memory_space<hbm>>) target(%dma_start3A_393 : memref<8x1024xf32, #tpu.memory_space<vmem_shared>>) target_semaphore(%run_scoped3A : memref<!tpu.dma_semaphore, #tpu.memory_space<semaphore_mem>>)
        %dma_wait3A = arith.constant 0 : i32
        %dma_wait3A_395 = tpu.memref_slice %arg6[%dma_wait3A, %multiple_of3A_92] : memref<8x16384xf32, #tpu.memory_space<vmem_shared>> -> memref<8x1024xf32, #tpu.memory_space<vmem_shared>>
        %dma_wait3A_396 = tpu.memref_slice %arg3[%multiple_of3A, %multiple_of3A_91] : memref<32x2600000xf32, #tpu.memory_space<hbm>> -> memref<8x1024xf32, #tpu.memory_space<hbm>>
        tpu.wait_dma2 semaphore(%run_scoped3A : memref<!tpu.dma_semaphore, #tpu.memory_space<semaphore_mem>>) src(%dma_wait3A_396 : memref<8x1024xf32, #tpu.memory_space<hbm>>) dst(%dma_wait3A_395 : memref<8x1024xf32, #tpu.memory_space<vmem_shared>>)
        tpu.yield
      }) : () -> ()
      %barrier3A_93 = arith.constant 0 : index
      tpu.barrier barrier_id(%barrier3A_93)
      "tpu.region"() ({
        %run_scoped3A = tpu.sem_alloc : memref<!tpu.dma_semaphore, #tpu.memory_space<semaphore_mem>>
        %dma_start3A = arith.constant 32768 : i32
        %dma_start3A_393 = tpu.memref_slice %arg8[%dma_start3A] : memref<100352xf32, #tpu.memory_space<vmem>> -> memref<16384xf32, #tpu.memory_space<vmem>>
        %dma_start3A_394 = arith.constant 0 : i32
        %dma_start3A_395 = tpu.memref_slice %arg6[%rem3A_0, %dma_start3A_394] : memref<8x16384xf32, #tpu.memory_space<vmem_shared>> -> memref<1x16384xf32, #tpu.memory_space<vmem_shared>>
        %dma_start3A_396 = tpu.memref_squeeze %dma_start3A_395 : memref<1x16384xf32, #tpu.memory_space<vmem_shared>> -> memref<16384xf32, #tpu.memory_space<vmem_shared>>
        %dma_start3A_397 = arith.constant 32768 : i32
        %dma_start3A_398 = tpu.memref_slice %arg8[%dma_start3A_397] : memref<100352xf32, #tpu.memory_space<vmem>> -> memref<16384xf32, #tpu.memory_space<vmem>>
        %dma_start3A_399 = arith.constant 0 : i32
        %dma_start3A_400 = tpu.memref_slice %arg6[%rem3A_0, %dma_start3A_399] : memref<8x16384xf32, #tpu.memory_space<vmem_shared>> -> memref<1x16384xf32, #tpu.memory_space<vmem_shared>>
        %dma_start3A_401 = tpu.memref_squeeze %dma_start3A_400 : memref<1x16384xf32, #tpu.memory_space<vmem_shared>> -> memref<16384xf32, #tpu.memory_space<vmem_shared>>
        tpu.enqueue_dma source(%dma_start3A_401 : memref<16384xf32, #tpu.memory_space<vmem_shared>>) target(%dma_start3A_398 : memref<16384xf32, #tpu.memory_space<vmem>>) target_semaphore(%run_scoped3A : memref<!tpu.dma_semaphore, #tpu.memory_space<semaphore_mem>>)
        %dma_wait3A = arith.constant 32768 : i32
        %dma_wait3A_402 = tpu.memref_slice %arg8[%dma_wait3A] : memref<100352xf32, #tpu.memory_space<vmem>> -> memref<16384xf32, #tpu.memory_space<vmem>>
        %dma_wait3A_403 = arith.constant 0 : i32
        %dma_wait3A_404 = tpu.memref_slice %arg6[%rem3A_0, %dma_wait3A_403] : memref<8x16384xf32, #tpu.memory_space<vmem_shared>> -> memref<1x16384xf32, #tpu.memory_space<vmem_shared>>
        %dma_wait3A_405 = tpu.memref_squeeze %dma_wait3A_404 : memref<1x16384xf32, #tpu.memory_space<vmem_shared>> -> memref<16384xf32, #tpu.memory_space<vmem_shared>>
        %dma_wait3A_406 = arith.constant 32768 : i32
        %dma_wait3A_407 = tpu.memref_slice %arg8[%dma_wait3A_406] : memref<100352xf32, #tpu.memory_space<vmem>> -> memref<16384xf32, #tpu.memory_space<vmem>>
        %dma_wait3A_408 = arith.constant 0 : i32
        %dma_wait3A_409 = tpu.memref_slice %arg6[%rem3A_0, %dma_wait3A_408] : memref<8x16384xf32, #tpu.memory_space<vmem_shared>> -> memref<1x16384xf32, #tpu.memory_space<vmem_shared>>
        %dma_wait3A_410 = tpu.memref_squeeze %dma_wait3A_409 : memref<1x16384xf32, #tpu.memory_space<vmem_shared>> -> memref<16384xf32, #tpu.memory_space<vmem_shared>>
        tpu.wait_dma2 semaphore(%run_scoped3A : memref<!tpu.dma_semaphore, #tpu.memory_space<semaphore_mem>>) src(%dma_wait3A_410 : memref<16384xf32, #tpu.memory_space<vmem_shared>>) dst(%dma_wait3A_407 : memref<16384xf32, #tpu.memory_space<vmem>>)
        tpu.yield
      }) : () -> ()
      %barrier3A_94 = arith.constant 0 : index
      tpu.barrier barrier_id(%barrier3A_94)
      %mul3A_95 = arith.constant 1024 : i32
      %mul3A_96 = arith.muli %arg1, %mul3A_95 : i32
      %add3A_97 = arith.constant 49152 : i32
      %add3A_98 = arith.addi %min3A_53, %add3A_97 : i32
      %add3A_99 = arith.addi %add3A_98, %mul3A_96 : i32
      %multiple_of3A_100 = tpu.assume_multiple %add3A_99, 128 : i32
      %multiple_of3A_101 = tpu.assume_multiple %mul3A_96, 128 : i32
      "tpu.region"() ({
        %run_scoped3A = tpu.sem_alloc : memref<!tpu.dma_semaphore, #tpu.memory_space<semaphore_mem>>
        %dma_start3A = arith.constant 0 : i32
        %dma_start3A_393 = tpu.memref_slice %arg6[%dma_start3A, %multiple_of3A_101] : memref<8x16384xf32, #tpu.memory_space<vmem_shared>> -> memref<8x1024xf32, #tpu.memory_space<vmem_shared>>
        %dma_start3A_394 = tpu.memref_slice %arg3[%multiple_of3A, %multiple_of3A_100] : memref<32x2600000xf32, #tpu.memory_space<hbm>> -> memref<8x1024xf32, #tpu.memory_space<hbm>>
        tpu.enqueue_dma source(%dma_start3A_394 : memref<8x1024xf32, #tpu.memory_space<hbm>>) target(%dma_start3A_393 : memref<8x1024xf32, #tpu.memory_space<vmem_shared>>) target_semaphore(%run_scoped3A : memref<!tpu.dma_semaphore, #tpu.memory_space<semaphore_mem>>)
        %dma_wait3A = arith.constant 0 : i32
        %dma_wait3A_395 = tpu.memref_slice %arg6[%dma_wait3A, %multiple_of3A_101] : memref<8x16384xf32, #tpu.memory_space<vmem_shared>> -> memref<8x1024xf32, #tpu.memory_space<vmem_shared>>
        %dma_wait3A_396 = tpu.memref_slice %arg3[%multiple_of3A, %multiple_of3A_100] : memref<32x2600000xf32, #tpu.memory_space<hbm>> -> memref<8x1024xf32, #tpu.memory_space<hbm>>
        tpu.wait_dma2 semaphore(%run_scoped3A : memref<!tpu.dma_semaphore, #tpu.memory_space<semaphore_mem>>) src(%dma_wait3A_396 : memref<8x1024xf32, #tpu.memory_space<hbm>>) dst(%dma_wait3A_395 : memref<8x1024xf32, #tpu.memory_space<vmem_shared>>)
        tpu.yield
      }) : () -> ()
      %barrier3A_102 = arith.constant 0 : index
      tpu.barrier barrier_id(%barrier3A_102)
      "tpu.region"() ({
        %run_scoped3A = tpu.sem_alloc : memref<!tpu.dma_semaphore, #tpu.memory_space<semaphore_mem>>
        %dma_start3A = arith.constant 49152 : i32
        %dma_start3A_393 = tpu.memref_slice %arg8[%dma_start3A] : memref<100352xf32, #tpu.memory_space<vmem>> -> memref<16384xf32, #tpu.memory_space<vmem>>
        %dma_start3A_394 = arith.constant 0 : i32
        %dma_start3A_395 = tpu.memref_slice %arg6[%rem3A_0, %dma_start3A_394] : memref<8x16384xf32, #tpu.memory_space<vmem_shared>> -> memref<1x16384xf32, #tpu.memory_space<vmem_shared>>
        %dma_start3A_396 = tpu.memref_squeeze %dma_start3A_395 : memref<1x16384xf32, #tpu.memory_space<vmem_shared>> -> memref<16384xf32, #tpu.memory_space<vmem_shared>>
        %dma_start3A_397 = arith.constant 49152 : i32
        %dma_start3A_398 = tpu.memref_slice %arg8[%dma_start3A_397] : memref<100352xf32, #tpu.memory_space<vmem>> -> memref<16384xf32, #tpu.memory_space<vmem>>
        %dma_start3A_399 = arith.constant 0 : i32
        %dma_start3A_400 = tpu.memref_slice %arg6[%rem3A_0, %dma_start3A_399] : memref<8x16384xf32, #tpu.memory_space<vmem_shared>> -> memref<1x16384xf32, #tpu.memory_space<vmem_shared>>
        %dma_start3A_401 = tpu.memref_squeeze %dma_start3A_400 : memref<1x16384xf32, #tpu.memory_space<vmem_shared>> -> memref<16384xf32, #tpu.memory_space<vmem_shared>>
        tpu.enqueue_dma source(%dma_start3A_401 : memref<16384xf32, #tpu.memory_space<vmem_shared>>) target(%dma_start3A_398 : memref<16384xf32, #tpu.memory_space<vmem>>) target_semaphore(%run_scoped3A : memref<!tpu.dma_semaphore, #tpu.memory_space<semaphore_mem>>)
        %dma_wait3A = arith.constant 49152 : i32
        %dma_wait3A_402 = tpu.memref_slice %arg8[%dma_wait3A] : memref<100352xf32, #tpu.memory_space<vmem>> -> memref<16384xf32, #tpu.memory_space<vmem>>
        %dma_wait3A_403 = arith.constant 0 : i32
        %dma_wait3A_404 = tpu.memref_slice %arg6[%rem3A_0, %dma_wait3A_403] : memref<8x16384xf32, #tpu.memory_space<vmem_shared>> -> memref<1x16384xf32, #tpu.memory_space<vmem_shared>>
        %dma_wait3A_405 = tpu.memref_squeeze %dma_wait3A_404 : memref<1x16384xf32, #tpu.memory_space<vmem_shared>> -> memref<16384xf32, #tpu.memory_space<vmem_shared>>
        %dma_wait3A_406 = arith.constant 49152 : i32
        %dma_wait3A_407 = tpu.memref_slice %arg8[%dma_wait3A_406] : memref<100352xf32, #tpu.memory_space<vmem>> -> memref<16384xf32, #tpu.memory_space<vmem>>
        %dma_wait3A_408 = arith.constant 0 : i32
        %dma_wait3A_409 = tpu.memref_slice %arg6[%rem3A_0, %dma_wait3A_408] : memref<8x16384xf32, #tpu.memory_space<vmem_shared>> -> memref<1x16384xf32, #tpu.memory_space<vmem_shared>>
        %dma_wait3A_410 = tpu.memref_squeeze %dma_wait3A_409 : memref<1x16384xf32, #tpu.memory_space<vmem_shared>> -> memref<16384xf32, #tpu.memory_space<vmem_shared>>
        tpu.wait_dma2 semaphore(%run_scoped3A : memref<!tpu.dma_semaphore, #tpu.memory_space<semaphore_mem>>) src(%dma_wait3A_410 : memref<16384xf32, #tpu.memory_space<vmem_shared>>) dst(%dma_wait3A_407 : memref<16384xf32, #tpu.memory_space<vmem>>)
        tpu.yield
      }) : () -> ()
      %barrier3A_103 = arith.constant 0 : index
      tpu.barrier barrier_id(%barrier3A_103)
      %mul3A_104 = arith.constant 1024 : i32
      %mul3A_105 = arith.muli %arg1, %mul3A_104 : i32
      %add3A_106 = arith.constant 65536 : i32
      %add3A_107 = arith.addi %min3A_53, %add3A_106 : i32
      %add3A_108 = arith.addi %add3A_107, %mul3A_105 : i32
      %multiple_of3A_109 = tpu.assume_multiple %add3A_108, 128 : i32
      %multiple_of3A_110 = tpu.assume_multiple %mul3A_105, 128 : i32
      "tpu.region"() ({
        %run_scoped3A = tpu.sem_alloc : memref<!tpu.dma_semaphore, #tpu.memory_space<semaphore_mem>>
        %dma_start3A = arith.constant 0 : i32
        %dma_start3A_393 = tpu.memref_slice %arg6[%dma_start3A, %multiple_of3A_110] : memref<8x16384xf32, #tpu.memory_space<vmem_shared>> -> memref<8x1024xf32, #tpu.memory_space<vmem_shared>>
        %dma_start3A_394 = tpu.memref_slice %arg3[%multiple_of3A, %multiple_of3A_109] : memref<32x2600000xf32, #tpu.memory_space<hbm>> -> memref<8x1024xf32, #tpu.memory_space<hbm>>
        tpu.enqueue_dma source(%dma_start3A_394 : memref<8x1024xf32, #tpu.memory_space<hbm>>) target(%dma_start3A_393 : memref<8x1024xf32, #tpu.memory_space<vmem_shared>>) target_semaphore(%run_scoped3A : memref<!tpu.dma_semaphore, #tpu.memory_space<semaphore_mem>>)
        %dma_wait3A = arith.constant 0 : i32
        %dma_wait3A_395 = tpu.memref_slice %arg6[%dma_wait3A, %multiple_of3A_110] : memref<8x16384xf32, #tpu.memory_space<vmem_shared>> -> memref<8x1024xf32, #tpu.memory_space<vmem_shared>>
        %dma_wait3A_396 = tpu.memref_slice %arg3[%multiple_of3A, %multiple_of3A_109] : memref<32x2600000xf32, #tpu.memory_space<hbm>> -> memref<8x1024xf32, #tpu.memory_space<hbm>>
        tpu.wait_dma2 semaphore(%run_scoped3A : memref<!tpu.dma_semaphore, #tpu.memory_space<semaphore_mem>>) src(%dma_wait3A_396 : memref<8x1024xf32, #tpu.memory_space<hbm>>) dst(%dma_wait3A_395 : memref<8x1024xf32, #tpu.memory_space<vmem_shared>>)
        tpu.yield
      }) : () -> ()
      %barrier3A_111 = arith.constant 0 : index
      tpu.barrier barrier_id(%barrier3A_111)
      "tpu.region"() ({
        %run_scoped3A = tpu.sem_alloc : memref<!tpu.dma_semaphore, #tpu.memory_space<semaphore_mem>>
        %dma_start3A = arith.constant 65536 : i32
        %dma_start3A_393 = tpu.memref_slice %arg8[%dma_start3A] : memref<100352xf32, #tpu.memory_space<vmem>> -> memref<16384xf32, #tpu.memory_space<vmem>>
        %dma_start3A_394 = arith.constant 0 : i32
        %dma_start3A_395 = tpu.memref_slice %arg6[%rem3A_0, %dma_start3A_394] : memref<8x16384xf32, #tpu.memory_space<vmem_shared>> -> memref<1x16384xf32, #tpu.memory_space<vmem_shared>>
        %dma_start3A_396 = tpu.memref_squeeze %dma_start3A_395 : memref<1x16384xf32, #tpu.memory_space<vmem_shared>> -> memref<16384xf32, #tpu.memory_space<vmem_shared>>
        %dma_start3A_397 = arith.constant 65536 : i32
        %dma_start3A_398 = tpu.memref_slice %arg8[%dma_start3A_397] : memref<100352xf32, #tpu.memory_space<vmem>> -> memref<16384xf32, #tpu.memory_space<vmem>>
        %dma_start3A_399 = arith.constant 0 : i32
        %dma_start3A_400 = tpu.memref_slice %arg6[%rem3A_0, %dma_start3A_399] : memref<8x16384xf32, #tpu.memory_space<vmem_shared>> -> memref<1x16384xf32, #tpu.memory_space<vmem_shared>>
        %dma_start3A_401 = tpu.memref_squeeze %dma_start3A_400 : memref<1x16384xf32, #tpu.memory_space<vmem_shared>> -> memref<16384xf32, #tpu.memory_space<vmem_shared>>
        tpu.enqueue_dma source(%dma_start3A_401 : memref<16384xf32, #tpu.memory_space<vmem_shared>>) target(%dma_start3A_398 : memref<16384xf32, #tpu.memory_space<vmem>>) target_semaphore(%run_scoped3A : memref<!tpu.dma_semaphore, #tpu.memory_space<semaphore_mem>>)
        %dma_wait3A = arith.constant 65536 : i32
        %dma_wait3A_402 = tpu.memref_slice %arg8[%dma_wait3A] : memref<100352xf32, #tpu.memory_space<vmem>> -> memref<16384xf32, #tpu.memory_space<vmem>>
        %dma_wait3A_403 = arith.constant 0 : i32
        %dma_wait3A_404 = tpu.memref_slice %arg6[%rem3A_0, %dma_wait3A_403] : memref<8x16384xf32, #tpu.memory_space<vmem_shared>> -> memref<1x16384xf32, #tpu.memory_space<vmem_shared>>
        %dma_wait3A_405 = tpu.memref_squeeze %dma_wait3A_404 : memref<1x16384xf32, #tpu.memory_space<vmem_shared>> -> memref<16384xf32, #tpu.memory_space<vmem_shared>>
        %dma_wait3A_406 = arith.constant 65536 : i32
        %dma_wait3A_407 = tpu.memref_slice %arg8[%dma_wait3A_406] : memref<100352xf32, #tpu.memory_space<vmem>> -> memref<16384xf32, #tpu.memory_space<vmem>>
        %dma_wait3A_408 = arith.constant 0 : i32
        %dma_wait3A_409 = tpu.memref_slice %arg6[%rem3A_0, %dma_wait3A_408] : memref<8x16384xf32, #tpu.memory_space<vmem_shared>> -> memref<1x16384xf32, #tpu.memory_space<vmem_shared>>
        %dma_wait3A_410 = tpu.memref_squeeze %dma_wait3A_409 : memref<1x16384xf32, #tpu.memory_space<vmem_shared>> -> memref<16384xf32, #tpu.memory_space<vmem_shared>>
        tpu.wait_dma2 semaphore(%run_scoped3A : memref<!tpu.dma_semaphore, #tpu.memory_space<semaphore_mem>>) src(%dma_wait3A_410 : memref<16384xf32, #tpu.memory_space<vmem_shared>>) dst(%dma_wait3A_407 : memref<16384xf32, #tpu.memory_space<vmem>>)
        tpu.yield
      }) : () -> ()
      %barrier3A_112 = arith.constant 0 : index
      tpu.barrier barrier_id(%barrier3A_112)
      %mul3A_113 = arith.constant 1024 : i32
      %mul3A_114 = arith.muli %arg1, %mul3A_113 : i32
      %add3A_115 = arith.constant 81920 : i32
      %add3A_116 = arith.addi %min3A_53, %add3A_115 : i32
      %add3A_117 = arith.addi %add3A_116, %mul3A_114 : i32
      %multiple_of3A_118 = tpu.assume_multiple %add3A_117, 128 : i32
      %multiple_of3A_119 = tpu.assume_multiple %mul3A_114, 128 : i32
      "tpu.region"() ({
        %run_scoped3A = tpu.sem_alloc : memref<!tpu.dma_semaphore, #tpu.memory_space<semaphore_mem>>
        %dma_start3A = arith.constant 0 : i32
        %dma_start3A_393 = tpu.memref_slice %arg6[%dma_start3A, %multiple_of3A_119] : memref<8x16384xf32, #tpu.memory_space<vmem_shared>> -> memref<8x1024xf32, #tpu.memory_space<vmem_shared>>
        %dma_start3A_394 = tpu.memref_slice %arg3[%multiple_of3A, %multiple_of3A_118] : memref<32x2600000xf32, #tpu.memory_space<hbm>> -> memref<8x1024xf32, #tpu.memory_space<hbm>>
        tpu.enqueue_dma source(%dma_start3A_394 : memref<8x1024xf32, #tpu.memory_space<hbm>>) target(%dma_start3A_393 : memref<8x1024xf32, #tpu.memory_space<vmem_shared>>) target_semaphore(%run_scoped3A : memref<!tpu.dma_semaphore, #tpu.memory_space<semaphore_mem>>)
        %dma_wait3A = arith.constant 0 : i32
        %dma_wait3A_395 = tpu.memref_slice %arg6[%dma_wait3A, %multiple_of3A_119] : memref<8x16384xf32, #tpu.memory_space<vmem_shared>> -> memref<8x1024xf32, #tpu.memory_space<vmem_shared>>
        %dma_wait3A_396 = tpu.memref_slice %arg3[%multiple_of3A, %multiple_of3A_118] : memref<32x2600000xf32, #tpu.memory_space<hbm>> -> memref<8x1024xf32, #tpu.memory_space<hbm>>
        tpu.wait_dma2 semaphore(%run_scoped3A : memref<!tpu.dma_semaphore, #tpu.memory_space<semaphore_mem>>) src(%dma_wait3A_396 : memref<8x1024xf32, #tpu.memory_space<hbm>>) dst(%dma_wait3A_395 : memref<8x1024xf32, #tpu.memory_space<vmem_shared>>)
        tpu.yield
      }) : () -> ()
      %barrier3A_120 = arith.constant 0 : index
      tpu.barrier barrier_id(%barrier3A_120)
      "tpu.region"() ({
        %run_scoped3A = tpu.sem_alloc : memref<!tpu.dma_semaphore, #tpu.memory_space<semaphore_mem>>
        %dma_start3A = arith.constant 81920 : i32
        %dma_start3A_393 = tpu.memref_slice %arg8[%dma_start3A] : memref<100352xf32, #tpu.memory_space<vmem>> -> memref<16384xf32, #tpu.memory_space<vmem>>
        %dma_start3A_394 = arith.constant 0 : i32
        %dma_start3A_395 = tpu.memref_slice %arg6[%rem3A_0, %dma_start3A_394] : memref<8x16384xf32, #tpu.memory_space<vmem_shared>> -> memref<1x16384xf32, #tpu.memory_space<vmem_shared>>
        %dma_start3A_396 = tpu.memref_squeeze %dma_start3A_395 : memref<1x16384xf32, #tpu.memory_space<vmem_shared>> -> memref<16384xf32, #tpu.memory_space<vmem_shared>>
        %dma_start3A_397 = arith.constant 81920 : i32
        %dma_start3A_398 = tpu.memref_slice %arg8[%dma_start3A_397] : memref<100352xf32, #tpu.memory_space<vmem>> -> memref<16384xf32, #tpu.memory_space<vmem>>
        %dma_start3A_399 = arith.constant 0 : i32
        %dma_start3A_400 = tpu.memref_slice %arg6[%rem3A_0, %dma_start3A_399] : memref<8x16384xf32, #tpu.memory_space<vmem_shared>> -> memref<1x16384xf32, #tpu.memory_space<vmem_shared>>
        %dma_start3A_401 = tpu.memref_squeeze %dma_start3A_400 : memref<1x16384xf32, #tpu.memory_space<vmem_shared>> -> memref<16384xf32, #tpu.memory_space<vmem_shared>>
        tpu.enqueue_dma source(%dma_start3A_401 : memref<16384xf32, #tpu.memory_space<vmem_shared>>) target(%dma_start3A_398 : memref<16384xf32, #tpu.memory_space<vmem>>) target_semaphore(%run_scoped3A : memref<!tpu.dma_semaphore, #tpu.memory_space<semaphore_mem>>)
        %dma_wait3A = arith.constant 81920 : i32
        %dma_wait3A_402 = tpu.memref_slice %arg8[%dma_wait3A] : memref<100352xf32, #tpu.memory_space<vmem>> -> memref<16384xf32, #tpu.memory_space<vmem>>
        %dma_wait3A_403 = arith.constant 0 : i32
        %dma_wait3A_404 = tpu.memref_slice %arg6[%rem3A_0, %dma_wait3A_403] : memref<8x16384xf32, #tpu.memory_space<vmem_shared>> -> memref<1x16384xf32, #tpu.memory_space<vmem_shared>>
        %dma_wait3A_405 = tpu.memref_squeeze %dma_wait3A_404 : memref<1x16384xf32, #tpu.memory_space<vmem_shared>> -> memref<16384xf32, #tpu.memory_space<vmem_shared>>
        %dma_wait3A_406 = arith.constant 81920 : i32
        %dma_wait3A_407 = tpu.memref_slice %arg8[%dma_wait3A_406] : memref<100352xf32, #tpu.memory_space<vmem>> -> memref<16384xf32, #tpu.memory_space<vmem>>
        %dma_wait3A_408 = arith.constant 0 : i32
        %dma_wait3A_409 = tpu.memref_slice %arg6[%rem3A_0, %dma_wait3A_408] : memref<8x16384xf32, #tpu.memory_space<vmem_shared>> -> memref<1x16384xf32, #tpu.memory_space<vmem_shared>>
        %dma_wait3A_410 = tpu.memref_squeeze %dma_wait3A_409 : memref<1x16384xf32, #tpu.memory_space<vmem_shared>> -> memref<16384xf32, #tpu.memory_space<vmem_shared>>
        tpu.wait_dma2 semaphore(%run_scoped3A : memref<!tpu.dma_semaphore, #tpu.memory_space<semaphore_mem>>) src(%dma_wait3A_410 : memref<16384xf32, #tpu.memory_space<vmem_shared>>) dst(%dma_wait3A_407 : memref<16384xf32, #tpu.memory_space<vmem>>)
        tpu.yield
      }) : () -> ()
      %barrier3A_121 = arith.constant 0 : index
      tpu.barrier barrier_id(%barrier3A_121)
      %mul3A_122 = arith.constant 128 : i32
      %mul3A_123 = arith.muli %arg1, %mul3A_122 : i32
      %add3A_124 = arith.constant 98304 : i32
      %add3A_125 = arith.addi %min3A_53, %add3A_124 : i32
      %add3A_126 = arith.addi %add3A_125, %mul3A_123 : i32
      %multiple_of3A_127 = tpu.assume_multiple %add3A_126, 128 : i32
      %multiple_of3A_128 = tpu.assume_multiple %mul3A_123, 128 : i32
      "tpu.region"() ({
        %run_scoped3A = tpu.sem_alloc : memref<!tpu.dma_semaphore, #tpu.memory_space<semaphore_mem>>
        %dma_start3A = arith.constant 0 : i32
        %dma_start3A_393 = tpu.memref_slice %arg6[%dma_start3A, %multiple_of3A_128] : memref<8x16384xf32, #tpu.memory_space<vmem_shared>> -> memref<8x128xf32, #tpu.memory_space<vmem_shared>>
        %dma_start3A_394 = tpu.memref_slice %arg3[%multiple_of3A, %multiple_of3A_127] : memref<32x2600000xf32, #tpu.memory_space<hbm>> -> memref<8x128xf32, #tpu.memory_space<hbm>>
        tpu.enqueue_dma source(%dma_start3A_394 : memref<8x128xf32, #tpu.memory_space<hbm>>) target(%dma_start3A_393 : memref<8x128xf32, #tpu.memory_space<vmem_shared>>) target_semaphore(%run_scoped3A : memref<!tpu.dma_semaphore, #tpu.memory_space<semaphore_mem>>)
        %dma_wait3A = arith.constant 0 : i32
        %dma_wait3A_395 = tpu.memref_slice %arg6[%dma_wait3A, %multiple_of3A_128] : memref<8x16384xf32, #tpu.memory_space<vmem_shared>> -> memref<8x128xf32, #tpu.memory_space<vmem_shared>>
        %dma_wait3A_396 = tpu.memref_slice %arg3[%multiple_of3A, %multiple_of3A_127] : memref<32x2600000xf32, #tpu.memory_space<hbm>> -> memref<8x128xf32, #tpu.memory_space<hbm>>
        tpu.wait_dma2 semaphore(%run_scoped3A : memref<!tpu.dma_semaphore, #tpu.memory_space<semaphore_mem>>) src(%dma_wait3A_396 : memref<8x128xf32, #tpu.memory_space<hbm>>) dst(%dma_wait3A_395 : memref<8x128xf32, #tpu.memory_space<vmem_shared>>)
        tpu.yield
      }) : () -> ()
      %barrier3A_129 = arith.constant 0 : index
      tpu.barrier barrier_id(%barrier3A_129)
      "tpu.region"() ({
        %run_scoped3A = tpu.sem_alloc : memref<!tpu.dma_semaphore, #tpu.memory_space<semaphore_mem>>
        %dma_start3A = arith.constant 98304 : i32
        %dma_start3A_393 = tpu.memref_slice %arg8[%dma_start3A] : memref<100352xf32, #tpu.memory_space<vmem>> -> memref<2048xf32, #tpu.memory_space<vmem>>
        %dma_start3A_394 = arith.constant 0 : i32
        %dma_start3A_395 = tpu.memref_slice %arg6[%rem3A_0, %dma_start3A_394] : memref<8x16384xf32, #tpu.memory_space<vmem_shared>> -> memref<1x2048xf32, #tpu.memory_space<vmem_shared>>
        %dma_start3A_396 = tpu.memref_squeeze %dma_start3A_395 : memref<1x2048xf32, #tpu.memory_space<vmem_shared>> -> memref<2048xf32, #tpu.memory_space<vmem_shared>>
        %dma_start3A_397 = arith.constant 98304 : i32
        %dma_start3A_398 = tpu.memref_slice %arg8[%dma_start3A_397] : memref<100352xf32, #tpu.memory_space<vmem>> -> memref<2048xf32, #tpu.memory_space<vmem>>
        %dma_start3A_399 = arith.constant 0 : i32
        %dma_start3A_400 = tpu.memref_slice %arg6[%rem3A_0, %dma_start3A_399] : memref<8x16384xf32, #tpu.memory_space<vmem_shared>> -> memref<1x2048xf32, #tpu.memory_space<vmem_shared>>
        %dma_start3A_401 = tpu.memref_squeeze %dma_start3A_400 : memref<1x2048xf32, #tpu.memory_space<vmem_shared>> -> memref<2048xf32, #tpu.memory_space<vmem_shared>>
        tpu.enqueue_dma source(%dma_start3A_401 : memref<2048xf32, #tpu.memory_space<vmem_shared>>) target(%dma_start3A_398 : memref<2048xf32, #tpu.memory_space<vmem>>) target_semaphore(%run_scoped3A : memref<!tpu.dma_semaphore, #tpu.memory_space<semaphore_mem>>)
        %dma_wait3A = arith.constant 98304 : i32
        %dma_wait3A_402 = tpu.memref_slice %arg8[%dma_wait3A] : memref<100352xf32, #tpu.memory_space<vmem>> -> memref<2048xf32, #tpu.memory_space<vmem>>
        %dma_wait3A_403 = arith.constant 0 : i32
        %dma_wait3A_404 = tpu.memref_slice %arg6[%rem3A_0, %dma_wait3A_403] : memref<8x16384xf32, #tpu.memory_space<vmem_shared>> -> memref<1x2048xf32, #tpu.memory_space<vmem_shared>>
        %dma_wait3A_405 = tpu.memref_squeeze %dma_wait3A_404 : memref<1x2048xf32, #tpu.memory_space<vmem_shared>> -> memref<2048xf32, #tpu.memory_space<vmem_shared>>
        %dma_wait3A_406 = arith.constant 98304 : i32
        %dma_wait3A_407 = tpu.memref_slice %arg8[%dma_wait3A_406] : memref<100352xf32, #tpu.memory_space<vmem>> -> memref<2048xf32, #tpu.memory_space<vmem>>
        %dma_wait3A_408 = arith.constant 0 : i32
        %dma_wait3A_409 = tpu.memref_slice %arg6[%rem3A_0, %dma_wait3A_408] : memref<8x16384xf32, #tpu.memory_space<vmem_shared>> -> memref<1x2048xf32, #tpu.memory_space<vmem_shared>>
        %dma_wait3A_410 = tpu.memref_squeeze %dma_wait3A_409 : memref<1x2048xf32, #tpu.memory_space<vmem_shared>> -> memref<2048xf32, #tpu.memory_space<vmem_shared>>
        tpu.wait_dma2 semaphore(%run_scoped3A : memref<!tpu.dma_semaphore, #tpu.memory_space<semaphore_mem>>) src(%dma_wait3A_410 : memref<2048xf32, #tpu.memory_space<vmem_shared>>) dst(%dma_wait3A_407 : memref<2048xf32, #tpu.memory_space<vmem>>)
        tpu.yield
      }) : () -> ()
      %barrier3A_130 = arith.constant 0 : index
      tpu.barrier barrier_id(%barrier3A_130)
      %mul3A_131 = arith.constant 128 : i32
      %mul3A_132 = arith.muli %scan3A_24, %mul3A_131 : i32
      %add3A_133 = arith.addi %mul3A_132, %mul3A_18 : i32
      %add3A_134 = arith.constant 0 : i32
      %add3A_135 = arith.addi %add3A_133, %add3A_134 : i32
      %multiple_of3A_136 = tpu.assume_multiple %add3A_135, 8 : i32
      "tpu.region"() ({
        %run_scoped3A = tpu.sem_alloc : memref<!tpu.dma_semaphore, #tpu.memory_space<semaphore_mem>>
        %dma_start3A = arith.constant 0 : i32
        %dma_start3A_393 = tpu.memref_slice %arg2[%multiple_of3A_136, %dma_start3A] : memref<3328x128xi32, #tpu.memory_space<hbm>> -> memref<32x128xi32, #tpu.memory_space<hbm>>
        %dma_start3A_394 = arith.constant 0 : i32
        %dma_start3A_395 = tpu.memref_slice %arg2[%multiple_of3A_136, %dma_start3A_394] : memref<3328x128xi32, #tpu.memory_space<hbm>> -> memref<32x128xi32, #tpu.memory_space<hbm>>
        tpu.enqueue_dma source(%dma_start3A_395 : memref<32x128xi32, #tpu.memory_space<hbm>>) target(%arg9 : memref<32x128xi32, #tpu.memory_space<vmem>>) target_semaphore(%run_scoped3A : memref<!tpu.dma_semaphore, #tpu.memory_space<semaphore_mem>>)
        %dma_wait3A = arith.constant 0 : i32
        %dma_wait3A_396 = tpu.memref_slice %arg2[%multiple_of3A_136, %dma_wait3A] : memref<3328x128xi32, #tpu.memory_space<hbm>> -> memref<32x128xi32, #tpu.memory_space<hbm>>
        %dma_wait3A_397 = arith.constant 0 : i32
        %dma_wait3A_398 = tpu.memref_slice %arg2[%multiple_of3A_136, %dma_wait3A_397] : memref<3328x128xi32, #tpu.memory_space<hbm>> -> memref<32x128xi32, #tpu.memory_space<hbm>>
        tpu.wait_dma2 semaphore(%run_scoped3A : memref<!tpu.dma_semaphore, #tpu.memory_space<semaphore_mem>>) src(%dma_wait3A_398 : memref<32x128xi32, #tpu.memory_space<hbm>>) dst(%arg9 : memref<32x128xi32, #tpu.memory_space<vmem>>)
        tpu.yield
      }) : () -> ()
      %scan3A_137 = arith.constant 0 : i32
      %scan3A_138 = arith.constant 0 : i32
      %scan3A_139 = arith.constant 256 : i32
      %scan3A_140 = arith.addi %scan3A_138, %scan3A_139 : i32
      %scan3A_141 = arith.constant 1 : i32
      scf.for %scan3A_393 = %scan3A_138 to %scan3A_140 step %scan3A_141  : i32 {
        %mul3A_394 = arith.constant 16 : i32
        %mul3A_395 = arith.muli %scan3A_393, %mul3A_394 : i32
        %add3A_396 = arith.constant 0 : i32
        %add3A_397 = arith.addi %add3A_396, %mul3A_395 : i32
        %jit3A_398 = arith.constant 8 : i32
        %div3A_399 = arith.divsi %scan3A_393, %jit3A_398 : i32
        %sign3A_400 = arith.constant 0 : i32
        %sign3A_401 = arith.cmpi sgt, %scan3A_393, %sign3A_400 : i32
        %sign3A_402 = arith.extui %sign3A_401 : i1 to i32
        %sign3A_403 = arith.constant 0 : i32
        %sign3A_404 = arith.cmpi slt, %scan3A_393, %sign3A_403 : i32
        %sign3A_405 = arith.extui %sign3A_404 : i1 to i32
        %sign3A_406 = arith.subi %sign3A_402, %sign3A_405 : i32
        %sign3A_407 = arith.constant 0 : i32
        %sign3A_408 = arith.cmpi sgt, %jit3A_398, %sign3A_407 : i32
        %sign3A_409 = arith.extui %sign3A_408 : i1 to i32
        %sign3A_410 = arith.constant 0 : i32
        %sign3A_411 = arith.cmpi slt, %jit3A_398, %sign3A_410 : i32
        %sign3A_412 = arith.extui %sign3A_411 : i1 to i32
        %sign3A_413 = arith.subi %sign3A_409, %sign3A_412 : i32
        %ne3A_414 = arith.cmpi ne, %sign3A_406, %sign3A_413 : i32
        %rem3A_415 = arith.remsi %scan3A_393, %jit3A_398 : i32
        %ne3A_416 = arith.constant 0 : i32
        %ne3A_417 = arith.cmpi ne, %rem3A_415, %ne3A_416 : i32
        %and3A_418 = arith.andi %ne3A_414, %ne3A_417 : i1
        %sub3A_419 = arith.constant 1 : i32
        %sub3A_420 = arith.subi %div3A_399, %sub3A_419 : i32
        %select_n3A_421 = arith.select %and3A_418, %sub3A_420, %div3A_399 : i32
        %jit3A_422 = arith.constant 8 : i32
        %eq3A_423 = arith.constant 0 : i32
        %eq3A_424 = arith.cmpi eq, %jit3A_422, %eq3A_423 : i32
        %jit3A_425 = arith.constant 1 : i32
        %select_n3A_426 = arith.select %eq3A_424, %jit3A_425, %jit3A_422 : i32
        %rem3A_427 = arith.remsi %scan3A_393, %select_n3A_426 : i32
        %ne3A_428 = arith.constant 0 : i32
        %ne3A_429 = arith.cmpi ne, %rem3A_427, %ne3A_428 : i32
        %lt3A = arith.constant 0 : i32
        %lt3A_430 = arith.cmpi slt, %rem3A_427, %lt3A : i32
        %lt3A_431 = arith.constant 0 : i32
        %lt3A_432 = arith.cmpi slt, %select_n3A_426, %lt3A_431 : i32
        %ne3A_433 = arith.xori %lt3A_430, %lt3A_432 : i1
        %and3A_434 = arith.andi %ne3A_433, %ne3A_429 : i1
        %add3A_435 = arith.addi %rem3A_427, %select_n3A_426 : i32
        %select_n3A_436 = arith.select %and3A_434, %add3A_435, %rem3A_427 : i32
        %mul3A_437 = arith.constant 16 : i32
        %mul3A_438 = arith.muli %select_n3A_436, %mul3A_437 : i32
        %get3A = arith.index_cast %select_n3A_421 : i32 to index
        %get3A_439 = arith.index_cast %mul3A_438 : i32 to index
        %get3A_440 = tpu.vector_load %arg9[%get3A, %get3A_439] {strides = array<i32>} : memref<32x128xi32, #tpu.memory_space<vmem>>, vector<16xi32>,
        %add3A_441 = vector.broadcast %sub3A_56 : i32 to vector<16xi32>
        %add3A_442 = arith.addi %get3A_440, %add3A_441 : vector<16xi32>
        %min3A_443 = arith.constant 100351 : i32
        %min3A_444 = vector.broadcast %min3A_443 : i32 to vector<16xi32>
        %min3A_445 = arith.minsi %add3A_442, %min3A_444 : vector<16xi32>
        %gather3A = tpu.vector_load_idx %arg8[%min3A_445] : memref<100352xf32, #tpu.memory_space<vmem>>[vector<16xi32>], vector<16xf32>,
        %sub3A_446 = vector.broadcast %sub3A_60 : i32 to vector<16xi32>
        %sub3A_447 = arith.subi %get3A_440, %sub3A_446 : vector<16xi32>
        %max3A = arith.constant 0 : i32
        %max3A_448 = vector.broadcast %max3A : i32 to vector<16xi32>
        %max3A_449 = arith.maxsi %sub3A_447, %max3A_448 : vector<16xi32>
        %broadcast_in_dim3A = vector.broadcast %add3A_68 : i32 to vector<16xi32>
        %gather3A_450 = tpu.vector_load_idx %arg11[%broadcast_in_dim3A, %max3A_449] : memref<32x128xf32, #tpu.memory_space<vmem>>[vector<16xi32>, vector<16xi32>], vector<16xf32>,
        %ge3A = vector.broadcast %sub3A_60 : i32 to vector<16xi32>
        %ge3A_451 = arith.cmpi sge, %get3A_440, %ge3A : vector<16xi32>
        %select_n3A_452 = arith.select %ge3A_451, %gather3A_450, %gather3A : vector<16xi1>, vector<16xf32>
        %swap3A = arith.index_cast %add3A_397 : i32 to index
        %swap3A_453 = tpu.vector_load %arg10[%swap3A] {strides = array<i32>} : memref<8192xf32, #tpu.memory_space<vmem>>, vector<16xf32>,
        tpu.vector_store %arg10[%swap3A], %select_n3A_452 {strides = array<i32>} : memref<8192xf32, #tpu.memory_space<vmem>>, vector<16xf32>,
      }
      %scan3A_142 = arith.constant 256 : i32
      %mul3A_143 = arith.constant 128 : i32
      %mul3A_144 = arith.muli %scan3A_24, %mul3A_143 : i32
      %add3A_145 = arith.addi %mul3A_144, %mul3A_18 : i32
      %add3A_146 = arith.constant 32 : i32
      %add3A_147 = arith.addi %add3A_145, %add3A_146 : i32
      %multiple_of3A_148 = tpu.assume_multiple %add3A_147, 8 : i32
      "tpu.region"() ({
        %run_scoped3A = tpu.sem_alloc : memref<!tpu.dma_semaphore, #tpu.memory_space<semaphore_mem>>
        %dma_start3A = arith.constant 0 : i32
        %dma_start3A_393 = tpu.memref_slice %arg2[%multiple_of3A_148, %dma_start3A] : memref<3328x128xi32, #tpu.memory_space<hbm>> -> memref<32x128xi32, #tpu.memory_space<hbm>>
        %dma_start3A_394 = arith.constant 0 : i32
        %dma_start3A_395 = tpu.memref_slice %arg2[%multiple_of3A_148, %dma_start3A_394] : memref<3328x128xi32, #tpu.memory_space<hbm>> -> memref<32x128xi32, #tpu.memory_space<hbm>>
        tpu.enqueue_dma source(%dma_start3A_395 : memref<32x128xi32, #tpu.memory_space<hbm>>) target(%arg9 : memref<32x128xi32, #tpu.memory_space<vmem>>) target_semaphore(%run_scoped3A : memref<!tpu.dma_semaphore, #tpu.memory_space<semaphore_mem>>)
        %dma_wait3A = arith.constant 0 : i32
        %dma_wait3A_396 = tpu.memref_slice %arg2[%multiple_of3A_148, %dma_wait3A] : memref<3328x128xi32, #tpu.memory_space<hbm>> -> memref<32x128xi32, #tpu.memory_space<hbm>>
        %dma_wait3A_397 = arith.constant 0 : i32
        %dma_wait3A_398 = tpu.memref_slice %arg2[%multiple_of3A_148, %dma_wait3A_397] : memref<3328x128xi32, #tpu.memory_space<hbm>> -> memref<32x128xi32, #tpu.memory_space<hbm>>
        tpu.wait_dma2 semaphore(%run_scoped3A : memref<!tpu.dma_semaphore, #tpu.memory_space<semaphore_mem>>) src(%dma_wait3A_398 : memref<32x128xi32, #tpu.memory_space<hbm>>) dst(%arg9 : memref<32x128xi32, #tpu.memory_space<vmem>>)
        tpu.yield
      }) : () -> ()
      %scan3A_149 = arith.constant 0 : i32
      %scan3A_150 = arith.constant 0 : i32
      %scan3A_151 = arith.constant 256 : i32
      %scan3A_152 = arith.addi %scan3A_150, %scan3A_151 : i32
      %scan3A_153 = arith.constant 1 : i32
      scf.for %scan3A_393 = %scan3A_150 to %scan3A_152 step %scan3A_153  : i32 {
        %mul3A_394 = arith.constant 16 : i32
        %mul3A_395 = arith.muli %scan3A_393, %mul3A_394 : i32
        %add3A_396 = arith.constant 4096 : i32
        %add3A_397 = arith.addi %add3A_396, %mul3A_395 : i32
        %jit3A_398 = arith.constant 8 : i32
        %div3A_399 = arith.divsi %scan3A_393, %jit3A_398 : i32
        %sign3A_400 = arith.constant 0 : i32
        %sign3A_401 = arith.cmpi sgt, %scan3A_393, %sign3A_400 : i32
        %sign3A_402 = arith.extui %sign3A_401 : i1 to i32
        %sign3A_403 = arith.constant 0 : i32
        %sign3A_404 = arith.cmpi slt, %scan3A_393, %sign3A_403 : i32
        %sign3A_405 = arith.extui %sign3A_404 : i1 to i32
        %sign3A_406 = arith.subi %sign3A_402, %sign3A_405 : i32
        %sign3A_407 = arith.constant 0 : i32
        %sign3A_408 = arith.cmpi sgt, %jit3A_398, %sign3A_407 : i32
        %sign3A_409 = arith.extui %sign3A_408 : i1 to i32
        %sign3A_410 = arith.constant 0 : i32
        %sign3A_411 = arith.cmpi slt, %jit3A_398, %sign3A_410 : i32
        %sign3A_412 = arith.extui %sign3A_411 : i1 to i32
        %sign3A_413 = arith.subi %sign3A_409, %sign3A_412 : i32
        %ne3A_414 = arith.cmpi ne, %sign3A_406, %sign3A_413 : i32
        %rem3A_415 = arith.remsi %scan3A_393, %jit3A_398 : i32
        %ne3A_416 = arith.constant 0 : i32
        %ne3A_417 = arith.cmpi ne, %rem3A_415, %ne3A_416 : i32
        %and3A_418 = arith.andi %ne3A_414, %ne3A_417 : i1
        %sub3A_419 = arith.constant 1 : i32
        %sub3A_420 = arith.subi %div3A_399, %sub3A_419 : i32
        %select_n3A_421 = arith.select %and3A_418, %sub3A_420, %div3A_399 : i32
        %jit3A_422 = arith.constant 8 : i32
        %eq3A_423 = arith.constant 0 : i32
        %eq3A_424 = arith.cmpi eq, %jit3A_422, %eq3A_423 : i32
        %jit3A_425 = arith.constant 1 : i32
        %select_n3A_426 = arith.select %eq3A_424, %jit3A_425, %jit3A_422 : i32
        %rem3A_427 = arith.remsi %scan3A_393, %select_n3A_426 : i32
        %ne3A_428 = arith.constant 0 : i32
        %ne3A_429 = arith.cmpi ne, %rem3A_427, %ne3A_428 : i32
        %lt3A = arith.constant 0 : i32
        %lt3A_430 = arith.cmpi slt, %rem3A_427, %lt3A : i32
        %lt3A_431 = arith.constant 0 : i32
        %lt3A_432 = arith.cmpi slt, %select_n3A_426, %lt3A_431 : i32
        %ne3A_433 = arith.xori %lt3A_430, %lt3A_432 : i1
        %and3A_434 = arith.andi %ne3A_433, %ne3A_429 : i1
        %add3A_435 = arith.addi %rem3A_427, %select_n3A_426 : i32
        %select_n3A_436 = arith.select %and3A_434, %add3A_435, %rem3A_427 : i32
        %mul3A_437 = arith.constant 16 : i32
        %mul3A_438 = arith.muli %select_n3A_436, %mul3A_437 : i32
        %get3A = arith.index_cast %select_n3A_421 : i32 to index
        %get3A_439 = arith.index_cast %mul3A_438 : i32 to index
        %get3A_440 = tpu.vector_load %arg9[%get3A, %get3A_439] {strides = array<i32>} : memref<32x128xi32, #tpu.memory_space<vmem>>, vector<16xi32>,
        %add3A_441 = vector.broadcast %sub3A_56 : i32 to vector<16xi32>
        %add3A_442 = arith.addi %get3A_440, %add3A_441 : vector<16xi32>
        %min3A_443 = arith.constant 100351 : i32
        %min3A_444 = vector.broadcast %min3A_443 : i32 to vector<16xi32>
        %min3A_445 = arith.minsi %add3A_442, %min3A_444 : vector<16xi32>
        %gather3A = tpu.vector_load_idx %arg8[%min3A_445] : memref<100352xf32, #tpu.memory_space<vmem>>[vector<16xi32>], vector<16xf32>,
        %sub3A_446 = vector.broadcast %sub3A_60 : i32 to vector<16xi32>
        %sub3A_447 = arith.subi %get3A_440, %sub3A_446 : vector<16xi32>
        %max3A = arith.constant 0 : i32
        %max3A_448 = vector.broadcast %max3A : i32 to vector<16xi32>
        %max3A_449 = arith.maxsi %sub3A_447, %max3A_448 : vector<16xi32>
        %broadcast_in_dim3A = vector.broadcast %add3A_68 : i32 to vector<16xi32>
        %gather3A_450 = tpu.vector_load_idx %arg11[%broadcast_in_dim3A, %max3A_449] : memref<32x128xf32, #tpu.memory_space<vmem>>[vector<16xi32>, vector<16xi32>], vector<16xf32>,
        %ge3A = vector.broadcast %sub3A_60 : i32 to vector<16xi32>
        %ge3A_451 = arith.cmpi sge, %get3A_440, %ge3A : vector<16xi32>
        %select_n3A_452 = arith.select %ge3A_451, %gather3A_450, %gather3A : vector<16xi1>, vector<16xf32>
        %swap3A = arith.index_cast %add3A_397 : i32 to index
        %swap3A_453 = tpu.vector_load %arg10[%swap3A] {strides = array<i32>} : memref<8192xf32, #tpu.memory_space<vmem>>, vector<16xf32>,
        tpu.vector_store %arg10[%swap3A], %select_n3A_452 {strides = array<i32>} : memref<8192xf32, #tpu.memory_space<vmem>>, vector<16xf32>,
      }
      %scan3A_154 = arith.constant 256 : i32
      %jit3A_155 = arith.constant 8 : i32
      %div3A_156 = arith.divsi %arg1, %jit3A_155 : i32
      %sign3A_157 = arith.constant 0 : i32
      %sign3A_158 = arith.cmpi sgt, %arg1, %sign3A_157 : i32
      %sign3A_159 = arith.extui %sign3A_158 : i1 to i32
      %sign3A_160 = arith.constant 0 : i32
      %sign3A_161 = arith.cmpi slt, %arg1, %sign3A_160 : i32
      %sign3A_162 = arith.extui %sign3A_161 : i1 to i32
      %sign3A_163 = arith.subi %sign3A_159, %sign3A_162 : i32
      %sign3A_164 = arith.constant 0 : i32
      %sign3A_165 = arith.cmpi sgt, %jit3A_155, %sign3A_164 : i32
      %sign3A_166 = arith.extui %sign3A_165 : i1 to i32
      %sign3A_167 = arith.constant 0 : i32
      %sign3A_168 = arith.cmpi slt, %jit3A_155, %sign3A_167 : i32
      %sign3A_169 = arith.extui %sign3A_168 : i1 to i32
      %sign3A_170 = arith.subi %sign3A_166, %sign3A_169 : i32
      %ne3A_171 = arith.cmpi ne, %sign3A_163, %sign3A_170 : i32
      %rem3A_172 = arith.remsi %arg1, %jit3A_155 : i32
      %ne3A_173 = arith.constant 0 : i32
      %ne3A_174 = arith.cmpi ne, %rem3A_172, %ne3A_173 : i32
      %and3A_175 = arith.andi %ne3A_171, %ne3A_174 : i1
      %sub3A_176 = arith.constant 1 : i32
      %sub3A_177 = arith.subi %div3A_156, %sub3A_176 : i32
      %select_n3A_178 = arith.select %and3A_175, %sub3A_177, %div3A_156 : i32
      %eq3A = arith.constant 0 : i32
      %eq3A_179 = arith.cmpi eq, %select_n3A_178, %eq3A : i32
      %convert_element_type3A = arith.extui %eq3A_179 : i1 to i32
      %cond3A = arith.constant 0 : i32
      %cond3A_180 = arith.cmpi ne, %convert_element_type3A, %cond3A : i32
      scf.if %cond3A_180 {
        "tpu.region"() ({
          %run_scoped3A = tpu.sem_alloc : memref<!tpu.dma_semaphore, #tpu.memory_space<semaphore_mem>>
          %dma_start3A = arith.constant 0 : i32
          %dma_start3A_393 = tpu.memref_slice %arg7[%rem3A_0, %dma_start3A] : memref<8x8192xf32, #tpu.memory_space<vmem_shared>> -> memref<1x8192xf32, #tpu.memory_space<vmem_shared>>
          %dma_start3A_394 = tpu.memref_squeeze %dma_start3A_393 : memref<1x8192xf32, #tpu.memory_space<vmem_shared>> -> memref<8192xf32, #tpu.memory_space<vmem_shared>>
          %dma_start3A_395 = arith.constant 0 : i32
          %dma_start3A_396 = tpu.memref_slice %arg7[%rem3A_0, %dma_start3A_395] : memref<8x8192xf32, #tpu.memory_space<vmem_shared>> -> memref<1x8192xf32, #tpu.memory_space<vmem_shared>>
          %dma_start3A_397 = tpu.memref_squeeze %dma_start3A_396 : memref<1x8192xf32, #tpu.memory_space<vmem_shared>> -> memref<8192xf32, #tpu.memory_space<vmem_shared>>
          tpu.enqueue_dma source(%arg10 : memref<8192xf32, #tpu.memory_space<vmem>>) target(%dma_start3A_397 : memref<8192xf32, #tpu.memory_space<vmem_shared>>) target_semaphore(%run_scoped3A : memref<!tpu.dma_semaphore, #tpu.memory_space<semaphore_mem>>)
          %dma_wait3A = arith.constant 0 : i32
          %dma_wait3A_398 = tpu.memref_slice %arg7[%rem3A_0, %dma_wait3A] : memref<8x8192xf32, #tpu.memory_space<vmem_shared>> -> memref<1x8192xf32, #tpu.memory_space<vmem_shared>>
          %dma_wait3A_399 = tpu.memref_squeeze %dma_wait3A_398 : memref<1x8192xf32, #tpu.memory_space<vmem_shared>> -> memref<8192xf32, #tpu.memory_space<vmem_shared>>
          %dma_wait3A_400 = arith.constant 0 : i32
          %dma_wait3A_401 = tpu.memref_slice %arg7[%rem3A_0, %dma_wait3A_400] : memref<8x8192xf32, #tpu.memory_space<vmem_shared>> -> memref<1x8192xf32, #tpu.memory_space<vmem_shared>>
          %dma_wait3A_402 = tpu.memref_squeeze %dma_wait3A_401 : memref<1x8192xf32, #tpu.memory_space<vmem_shared>> -> memref<8192xf32, #tpu.memory_space<vmem_shared>>
          tpu.wait_dma2 semaphore(%run_scoped3A : memref<!tpu.dma_semaphore, #tpu.memory_space<semaphore_mem>>) src(%arg10 : memref<8192xf32, #tpu.memory_space<vmem>>) dst(%dma_wait3A_402 : memref<8192xf32, #tpu.memory_space<vmem_shared>>)
          tpu.yield
        }) : () -> ()
      } else {
      }
      %barrier3A_181 = arith.constant 0 : index
      tpu.barrier barrier_id(%barrier3A_181)
      %eq3A_182 = arith.constant 0 : i32
      %eq3A_183 = arith.cmpi eq, %arg1, %eq3A_182 : i32
      %convert_element_type3A_184 = arith.extui %eq3A_183 : i1 to i32
      %cond3A_185 = arith.constant 0 : i32
      %cond3A_186 = arith.cmpi ne, %convert_element_type3A_184, %cond3A_185 : i32
      scf.if %cond3A_186 {
        "tpu.region"() ({
          %run_scoped3A = tpu.sem_alloc : memref<!tpu.dma_semaphore, #tpu.memory_space<semaphore_mem>>
          %dma_start3A = arith.constant 0 : i32
          %dma_start3A_393 = tpu.memref_slice %arg5[%scan3A_24, %multiple_of3A, %dma_start3A] : memref<26x32x16384xf32, #tpu.memory_space<hbm>> -> memref<1x8x8192xf32, #tpu.memory_space<hbm>>
          %dma_start3A_394 = tpu.memref_squeeze %dma_start3A_393 : memref<1x8x8192xf32, #tpu.memory_space<hbm>> -> memref<8x8192xf32, #tpu.memory_space<hbm>>
          tpu.enqueue_dma source(%arg7 : memref<8x8192xf32, #tpu.memory_space<vmem_shared>>) target(%dma_start3A_394 : memref<8x8192xf32, #tpu.memory_space<hbm>>) target_semaphore(%run_scoped3A : memref<!tpu.dma_semaphore, #tpu.memory_space<semaphore_mem>>)
          %dma_wait3A = arith.constant 0 : i32
          %dma_wait3A_395 = tpu.memref_slice %arg5[%scan3A_24, %multiple_of3A, %dma_wait3A] : memref<26x32x16384xf32, #tpu.memory_space<hbm>> -> memref<1x8x8192xf32, #tpu.memory_space<hbm>>
          %dma_wait3A_396 = tpu.memref_squeeze %dma_wait3A_395 : memref<1x8x8192xf32, #tpu.memory_space<hbm>> -> memref<8x8192xf32, #tpu.memory_space<hbm>>
          tpu.wait_dma2 semaphore(%run_scoped3A : memref<!tpu.dma_semaphore, #tpu.memory_space<semaphore_mem>>) src(%arg7 : memref<8x8192xf32, #tpu.memory_space<vmem_shared>>) dst(%dma_wait3A_396 : memref<8x8192xf32, #tpu.memory_space<hbm>>)
          tpu.yield
        }) : () -> ()
      } else {
      }
      %barrier3A_187 = arith.constant 0 : index
      tpu.barrier barrier_id(%barrier3A_187)
      %jit3A_188 = arith.constant 8 : i32
      %div3A_189 = arith.divsi %arg1, %jit3A_188 : i32
      %sign3A_190 = arith.constant 0 : i32
      %sign3A_191 = arith.cmpi sgt, %arg1, %sign3A_190 : i32
      %sign3A_192 = arith.extui %sign3A_191 : i1 to i32
      %sign3A_193 = arith.constant 0 : i32
      %sign3A_194 = arith.cmpi slt, %arg1, %sign3A_193 : i32
      %sign3A_195 = arith.extui %sign3A_194 : i1 to i32
      %sign3A_196 = arith.subi %sign3A_192, %sign3A_195 : i32
      %sign3A_197 = arith.constant 0 : i32
      %sign3A_198 = arith.cmpi sgt, %jit3A_188, %sign3A_197 : i32
      %sign3A_199 = arith.extui %sign3A_198 : i1 to i32
      %sign3A_200 = arith.constant 0 : i32
      %sign3A_201 = arith.cmpi slt, %jit3A_188, %sign3A_200 : i32
      %sign3A_202 = arith.extui %sign3A_201 : i1 to i32
      %sign3A_203 = arith.subi %sign3A_199, %sign3A_202 : i32
      %ne3A_204 = arith.cmpi ne, %sign3A_196, %sign3A_203 : i32
      %rem3A_205 = arith.remsi %arg1, %jit3A_188 : i32
      %ne3A_206 = arith.constant 0 : i32
      %ne3A_207 = arith.cmpi ne, %rem3A_205, %ne3A_206 : i32
      %and3A_208 = arith.andi %ne3A_204, %ne3A_207 : i1
      %sub3A_209 = arith.constant 1 : i32
      %sub3A_210 = arith.subi %div3A_189, %sub3A_209 : i32
      %select_n3A_211 = arith.select %and3A_208, %sub3A_210, %div3A_189 : i32
      %eq3A_212 = arith.constant 1 : i32
      %eq3A_213 = arith.cmpi eq, %select_n3A_211, %eq3A_212 : i32
      %convert_element_type3A_214 = arith.extui %eq3A_213 : i1 to i32
      %cond3A_215 = arith.constant 0 : i32
      %cond3A_216 = arith.cmpi ne, %convert_element_type3A_214, %cond3A_215 : i32
      scf.if %cond3A_216 {
        "tpu.region"() ({
          %run_scoped3A = tpu.sem_alloc : memref<!tpu.dma_semaphore, #tpu.memory_space<semaphore_mem>>
          %dma_start3A = arith.constant 0 : i32
          %dma_start3A_393 = tpu.memref_slice %arg7[%rem3A_0, %dma_start3A] : memref<8x8192xf32, #tpu.memory_space<vmem_shared>> -> memref<1x8192xf32, #tpu.memory_space<vmem_shared>>
          %dma_start3A_394 = tpu.memref_squeeze %dma_start3A_393 : memref<1x8192xf32, #tpu.memory_space<vmem_shared>> -> memref<8192xf32, #tpu.memory_space<vmem_shared>>
          %dma_start3A_395 = arith.constant 0 : i32
          %dma_start3A_396 = tpu.memref_slice %arg7[%rem3A_0, %dma_start3A_395] : memref<8x8192xf32, #tpu.memory_space<vmem_shared>> -> memref<1x8192xf32, #tpu.memory_space<vmem_shared>>
          %dma_start3A_397 = tpu.memref_squeeze %dma_start3A_396 : memref<1x8192xf32, #tpu.memory_space<vmem_shared>> -> memref<8192xf32, #tpu.memory_space<vmem_shared>>
          tpu.enqueue_dma source(%arg10 : memref<8192xf32, #tpu.memory_space<vmem>>) target(%dma_start3A_397 : memref<8192xf32, #tpu.memory_space<vmem_shared>>) target_semaphore(%run_scoped3A : memref<!tpu.dma_semaphore, #tpu.memory_space<semaphore_mem>>)
          %dma_wait3A = arith.constant 0 : i32
          %dma_wait3A_398 = tpu.memref_slice %arg7[%rem3A_0, %dma_wait3A] : memref<8x8192xf32, #tpu.memory_space<vmem_shared>> -> memref<1x8192xf32, #tpu.memory_space<vmem_shared>>
          %dma_wait3A_399 = tpu.memref_squeeze %dma_wait3A_398 : memref<1x8192xf32, #tpu.memory_space<vmem_shared>> -> memref<8192xf32, #tpu.memory_space<vmem_shared>>
          %dma_wait3A_400 = arith.constant 0 : i32
          %dma_wait3A_401 = tpu.memref_slice %arg7[%rem3A_0, %dma_wait3A_400] : memref<8x8192xf32, #tpu.memory_space<vmem_shared>> -> memref<1x8192xf32, #tpu.memory_space<vmem_shared>>
          %dma_wait3A_402 = tpu.memref_squeeze %dma_wait3A_401 : memref<1x8192xf32, #tpu.memory_space<vmem_shared>> -> memref<8192xf32, #tpu.memory_space<vmem_shared>>
          tpu.wait_dma2 semaphore(%run_scoped3A : memref<!tpu.dma_semaphore, #tpu.memory_space<semaphore_mem>>) src(%arg10 : memref<8192xf32, #tpu.memory_space<vmem>>) dst(%dma_wait3A_402 : memref<8192xf32, #tpu.memory_space<vmem_shared>>)
          tpu.yield
        }) : () -> ()
      } else {
      }
      %barrier3A_217 = arith.constant 0 : index
      tpu.barrier barrier_id(%barrier3A_217)
      %eq3A_218 = arith.constant 0 : i32
      %eq3A_219 = arith.cmpi eq, %arg1, %eq3A_218 : i32
      %convert_element_type3A_220 = arith.extui %eq3A_219 : i1 to i32
      %cond3A_221 = arith.constant 0 : i32
      %cond3A_222 = arith.cmpi ne, %convert_element_type3A_220, %cond3A_221 : i32
      scf.if %cond3A_222 {
        "tpu.region"() ({
          %run_scoped3A = tpu.sem_alloc : memref<!tpu.dma_semaphore, #tpu.memory_space<semaphore_mem>>
          %dma_start3A = arith.constant 8192 : i32
          %dma_start3A_393 = tpu.memref_slice %arg5[%scan3A_24, %multiple_of3A, %dma_start3A] : memref<26x32x16384xf32, #tpu.memory_space<hbm>> -> memref<1x8x8192xf32, #tpu.memory_space<hbm>>
          %dma_start3A_394 = tpu.memref_squeeze %dma_start3A_393 : memref<1x8x8192xf32, #tpu.memory_space<hbm>> -> memref<8x8192xf32, #tpu.memory_space<hbm>>
          tpu.enqueue_dma source(%arg7 : memref<8x8192xf32, #tpu.memory_space<vmem_shared>>) target(%dma_start3A_394 : memref<8x8192xf32, #tpu.memory_space<hbm>>) target_semaphore(%run_scoped3A : memref<!tpu.dma_semaphore, #tpu.memory_space<semaphore_mem>>)
          %dma_wait3A = arith.constant 8192 : i32
          %dma_wait3A_395 = tpu.memref_slice %arg5[%scan3A_24, %multiple_of3A, %dma_wait3A] : memref<26x32x16384xf32, #tpu.memory_space<hbm>> -> memref<1x8x8192xf32, #tpu.memory_space<hbm>>
          %dma_wait3A_396 = tpu.memref_squeeze %dma_wait3A_395 : memref<1x8x8192xf32, #tpu.memory_space<hbm>> -> memref<8x8192xf32, #tpu.memory_space<hbm>>
          tpu.wait_dma2 semaphore(%run_scoped3A : memref<!tpu.dma_semaphore, #tpu.memory_space<semaphore_mem>>) src(%arg7 : memref<8x8192xf32, #tpu.memory_space<vmem_shared>>) dst(%dma_wait3A_396 : memref<8x8192xf32, #tpu.memory_space<hbm>>)
          tpu.yield
        }) : () -> ()
      } else {
      }
      %barrier3A_223 = arith.constant 0 : index
      tpu.barrier barrier_id(%barrier3A_223)
      %mul3A_224 = arith.constant 16 : i32
      %mul3A_225 = arith.muli %arg0, %mul3A_224 : i32
      %add3A_226 = arith.constant 8 : i32
      %add3A_227 = arith.addi %mul3A_225, %add3A_226 : i32
      %multiple_of3A_228 = tpu.assume_multiple %add3A_227, 8 : i32
      %mul3A_229 = arith.constant 16 : i32
      %mul3A_230 = arith.muli %arg0, %mul3A_229 : i32
      %add3A_231 = arith.constant 8 : i32
      %add3A_232 = arith.addi %mul3A_230, %add3A_231 : i32
      %add3A_233 = arith.addi %add3A_232, %rem3A_0 : i32
      %mul3A_234 = arith.constant 1024 : i32
      %mul3A_235 = arith.muli %arg1, %mul3A_234 : i32
      %add3A_236 = arith.constant 0 : i32
      %add3A_237 = arith.addi %min3A_53, %add3A_236 : i32
      %add3A_238 = arith.addi %add3A_237, %mul3A_235 : i32
      %multiple_of3A_239 = tpu.assume_multiple %add3A_238, 128 : i32
      %multiple_of3A_240 = tpu.assume_multiple %mul3A_235, 128 : i32
      "tpu.region"() ({
        %run_scoped3A = tpu.sem_alloc : memref<!tpu.dma_semaphore, #tpu.memory_space<semaphore_mem>>
        %dma_start3A = arith.constant 0 : i32
        %dma_start3A_393 = tpu.memref_slice %arg6[%dma_start3A, %multiple_of3A_240] : memref<8x16384xf32, #tpu.memory_space<vmem_shared>> -> memref<8x1024xf32, #tpu.memory_space<vmem_shared>>
        %dma_start3A_394 = tpu.memref_slice %arg3[%multiple_of3A_228, %multiple_of3A_239] : memref<32x2600000xf32, #tpu.memory_space<hbm>> -> memref<8x1024xf32, #tpu.memory_space<hbm>>
        tpu.enqueue_dma source(%dma_start3A_394 : memref<8x1024xf32, #tpu.memory_space<hbm>>) target(%dma_start3A_393 : memref<8x1024xf32, #tpu.memory_space<vmem_shared>>) target_semaphore(%run_scoped3A : memref<!tpu.dma_semaphore, #tpu.memory_space<semaphore_mem>>)
        %dma_wait3A = arith.constant 0 : i32
        %dma_wait3A_395 = tpu.memref_slice %arg6[%dma_wait3A, %multiple_of3A_240] : memref<8x16384xf32, #tpu.memory_space<vmem_shared>> -> memref<8x1024xf32, #tpu.memory_space<vmem_shared>>
        %dma_wait3A_396 = tpu.memref_slice %arg3[%multiple_of3A_228, %multiple_of3A_239] : memref<32x2600000xf32, #tpu.memory_space<hbm>> -> memref<8x1024xf32, #tpu.memory_space<hbm>>
        tpu.wait_dma2 semaphore(%run_scoped3A : memref<!tpu.dma_semaphore, #tpu.memory_space<semaphore_mem>>) src(%dma_wait3A_396 : memref<8x1024xf32, #tpu.memory_space<hbm>>) dst(%dma_wait3A_395 : memref<8x1024xf32, #tpu.memory_space<vmem_shared>>)
        tpu.yield
      }) : () -> ()
      %barrier3A_241 = arith.constant 0 : index
      tpu.barrier barrier_id(%barrier3A_241)
      "tpu.region"() ({
        %run_scoped3A = tpu.sem_alloc : memref<!tpu.dma_semaphore, #tpu.memory_space<semaphore_mem>>
        %dma_start3A = arith.constant 0 : i32
        %dma_start3A_393 = tpu.memref_slice %arg8[%dma_start3A] : memref<100352xf32, #tpu.memory_space<vmem>> -> memref<16384xf32, #tpu.memory_space<vmem>>
        %dma_start3A_394 = arith.constant 0 : i32
        %dma_start3A_395 = tpu.memref_slice %arg6[%rem3A_0, %dma_start3A_394] : memref<8x16384xf32, #tpu.memory_space<vmem_shared>> -> memref<1x16384xf32, #tpu.memory_space<vmem_shared>>
        %dma_start3A_396 = tpu.memref_squeeze %dma_start3A_395 : memref<1x16384xf32, #tpu.memory_space<vmem_shared>> -> memref<16384xf32, #tpu.memory_space<vmem_shared>>
        %dma_start3A_397 = arith.constant 0 : i32
        %dma_start3A_398 = tpu.memref_slice %arg8[%dma_start3A_397] : memref<100352xf32, #tpu.memory_space<vmem>> -> memref<16384xf32, #tpu.memory_space<vmem>>
        %dma_start3A_399 = arith.constant 0 : i32
        %dma_start3A_400 = tpu.memref_slice %arg6[%rem3A_0, %dma_start3A_399] : memref<8x16384xf32, #tpu.memory_space<vmem_shared>> -> memref<1x16384xf32, #tpu.memory_space<vmem_shared>>
        %dma_start3A_401 = tpu.memref_squeeze %dma_start3A_400 : memref<1x16384xf32, #tpu.memory_space<vmem_shared>> -> memref<16384xf32, #tpu.memory_space<vmem_shared>>
        tpu.enqueue_dma source(%dma_start3A_401 : memref<16384xf32, #tpu.memory_space<vmem_shared>>) target(%dma_start3A_398 : memref<16384xf32, #tpu.memory_space<vmem>>) target_semaphore(%run_scoped3A : memref<!tpu.dma_semaphore, #tpu.memory_space<semaphore_mem>>)
        %dma_wait3A = arith.constant 0 : i32
        %dma_wait3A_402 = tpu.memref_slice %arg8[%dma_wait3A] : memref<100352xf32, #tpu.memory_space<vmem>> -> memref<16384xf32, #tpu.memory_space<vmem>>
        %dma_wait3A_403 = arith.constant 0 : i32
        %dma_wait3A_404 = tpu.memref_slice %arg6[%rem3A_0, %dma_wait3A_403] : memref<8x16384xf32, #tpu.memory_space<vmem_shared>> -> memref<1x16384xf32, #tpu.memory_space<vmem_shared>>
        %dma_wait3A_405 = tpu.memref_squeeze %dma_wait3A_404 : memref<1x16384xf32, #tpu.memory_space<vmem_shared>> -> memref<16384xf32, #tpu.memory_space<vmem_shared>>
        %dma_wait3A_406 = arith.constant 0 : i32
        %dma_wait3A_407 = tpu.memref_slice %arg8[%dma_wait3A_406] : memref<100352xf32, #tpu.memory_space<vmem>> -> memref<16384xf32, #tpu.memory_space<vmem>>
        %dma_wait3A_408 = arith.constant 0 : i32
        %dma_wait3A_409 = tpu.memref_slice %arg6[%rem3A_0, %dma_wait3A_408] : memref<8x16384xf32, #tpu.memory_space<vmem_shared>> -> memref<1x16384xf32, #tpu.memory_space<vmem_shared>>
        %dma_wait3A_410 = tpu.memref_squeeze %dma_wait3A_409 : memref<1x16384xf32, #tpu.memory_space<vmem_shared>> -> memref<16384xf32, #tpu.memory_space<vmem_shared>>
        tpu.wait_dma2 semaphore(%run_scoped3A : memref<!tpu.dma_semaphore, #tpu.memory_space<semaphore_mem>>) src(%dma_wait3A_410 : memref<16384xf32, #tpu.memory_space<vmem_shared>>) dst(%dma_wait3A_407 : memref<16384xf32, #tpu.memory_space<vmem>>)
        tpu.yield
      }) : () -> ()
      %barrier3A_242 = arith.constant 0 : index
      tpu.barrier barrier_id(%barrier3A_242)
      %mul3A_243 = arith.constant 1024 : i32
      %mul3A_244 = arith.muli %arg1, %mul3A_243 : i32
      %add3A_245 = arith.constant 16384 : i32
      %add3A_246 = arith.addi %min3A_53, %add3A_245 : i32
      %add3A_247 = arith.addi %add3A_246, %mul3A_244 : i32
      %multiple_of3A_248 = tpu.assume_multiple %add3A_247, 128 : i32
      %multiple_of3A_249 = tpu.assume_multiple %mul3A_244, 128 : i32
      "tpu.region"() ({
        %run_scoped3A = tpu.sem_alloc : memref<!tpu.dma_semaphore, #tpu.memory_space<semaphore_mem>>
        %dma_start3A = arith.constant 0 : i32
        %dma_start3A_393 = tpu.memref_slice %arg6[%dma_start3A, %multiple_of3A_249] : memref<8x16384xf32, #tpu.memory_space<vmem_shared>> -> memref<8x1024xf32, #tpu.memory_space<vmem_shared>>
        %dma_start3A_394 = tpu.memref_slice %arg3[%multiple_of3A_228, %multiple_of3A_248] : memref<32x2600000xf32, #tpu.memory_space<hbm>> -> memref<8x1024xf32, #tpu.memory_space<hbm>>
        tpu.enqueue_dma source(%dma_start3A_394 : memref<8x1024xf32, #tpu.memory_space<hbm>>) target(%dma_start3A_393 : memref<8x1024xf32, #tpu.memory_space<vmem_shared>>) target_semaphore(%run_scoped3A : memref<!tpu.dma_semaphore, #tpu.memory_space<semaphore_mem>>)
        %dma_wait3A = arith.constant 0 : i32
        %dma_wait3A_395 = tpu.memref_slice %arg6[%dma_wait3A, %multiple_of3A_249] : memref<8x16384xf32, #tpu.memory_space<vmem_shared>> -> memref<8x1024xf32, #tpu.memory_space<vmem_shared>>
        %dma_wait3A_396 = tpu.memref_slice %arg3[%multiple_of3A_228, %multiple_of3A_248] : memref<32x2600000xf32, #tpu.memory_space<hbm>> -> memref<8x1024xf32, #tpu.memory_space<hbm>>
        tpu.wait_dma2 semaphore(%run_scoped3A : memref<!tpu.dma_semaphore, #tpu.memory_space<semaphore_mem>>) src(%dma_wait3A_396 : memref<8x1024xf32, #tpu.memory_space<hbm>>) dst(%dma_wait3A_395 : memref<8x1024xf32, #tpu.memory_space<vmem_shared>>)
        tpu.yield
      }) : () -> ()
      %barrier3A_250 = arith.constant 0 : index
      tpu.barrier barrier_id(%barrier3A_250)
      "tpu.region"() ({
        %run_scoped3A = tpu.sem_alloc : memref<!tpu.dma_semaphore, #tpu.memory_space<semaphore_mem>>
        %dma_start3A = arith.constant 16384 : i32
        %dma_start3A_393 = tpu.memref_slice %arg8[%dma_start3A] : memref<100352xf32, #tpu.memory_space<vmem>> -> memref<16384xf32, #tpu.memory_space<vmem>>
        %dma_start3A_394 = arith.constant 0 : i32
        %dma_start3A_395 = tpu.memref_slice %arg6[%rem3A_0, %dma_start3A_394] : memref<8x16384xf32, #tpu.memory_space<vmem_shared>> -> memref<1x16384xf32, #tpu.memory_space<vmem_shared>>
        %dma_start3A_396 = tpu.memref_squeeze %dma_start3A_395 : memref<1x16384xf32, #tpu.memory_space<vmem_shared>> -> memref<16384xf32, #tpu.memory_space<vmem_shared>>
        %dma_start3A_397 = arith.constant 16384 : i32
        %dma_start3A_398 = tpu.memref_slice %arg8[%dma_start3A_397] : memref<100352xf32, #tpu.memory_space<vmem>> -> memref<16384xf32, #tpu.memory_space<vmem>>
        %dma_start3A_399 = arith.constant 0 : i32
        %dma_start3A_400 = tpu.memref_slice %arg6[%rem3A_0, %dma_start3A_399] : memref<8x16384xf32, #tpu.memory_space<vmem_shared>> -> memref<1x16384xf32, #tpu.memory_space<vmem_shared>>
        %dma_start3A_401 = tpu.memref_squeeze %dma_start3A_400 : memref<1x16384xf32, #tpu.memory_space<vmem_shared>> -> memref<16384xf32, #tpu.memory_space<vmem_shared>>
        tpu.enqueue_dma source(%dma_start3A_401 : memref<16384xf32, #tpu.memory_space<vmem_shared>>) target(%dma_start3A_398 : memref<16384xf32, #tpu.memory_space<vmem>>) target_semaphore(%run_scoped3A : memref<!tpu.dma_semaphore, #tpu.memory_space<semaphore_mem>>)
        %dma_wait3A = arith.constant 16384 : i32
        %dma_wait3A_402 = tpu.memref_slice %arg8[%dma_wait3A] : memref<100352xf32, #tpu.memory_space<vmem>> -> memref<16384xf32, #tpu.memory_space<vmem>>
        %dma_wait3A_403 = arith.constant 0 : i32
        %dma_wait3A_404 = tpu.memref_slice %arg6[%rem3A_0, %dma_wait3A_403] : memref<8x16384xf32, #tpu.memory_space<vmem_shared>> -> memref<1x16384xf32, #tpu.memory_space<vmem_shared>>
        %dma_wait3A_405 = tpu.memref_squeeze %dma_wait3A_404 : memref<1x16384xf32, #tpu.memory_space<vmem_shared>> -> memref<16384xf32, #tpu.memory_space<vmem_shared>>
        %dma_wait3A_406 = arith.constant 16384 : i32
        %dma_wait3A_407 = tpu.memref_slice %arg8[%dma_wait3A_406] : memref<100352xf32, #tpu.memory_space<vmem>> -> memref<16384xf32, #tpu.memory_space<vmem>>
        %dma_wait3A_408 = arith.constant 0 : i32
        %dma_wait3A_409 = tpu.memref_slice %arg6[%rem3A_0, %dma_wait3A_408] : memref<8x16384xf32, #tpu.memory_space<vmem_shared>> -> memref<1x16384xf32, #tpu.memory_space<vmem_shared>>
        %dma_wait3A_410 = tpu.memref_squeeze %dma_wait3A_409 : memref<1x16384xf32, #tpu.memory_space<vmem_shared>> -> memref<16384xf32, #tpu.memory_space<vmem_shared>>
        tpu.wait_dma2 semaphore(%run_scoped3A : memref<!tpu.dma_semaphore, #tpu.memory_space<semaphore_mem>>) src(%dma_wait3A_410 : memref<16384xf32, #tpu.memory_space<vmem_shared>>) dst(%dma_wait3A_407 : memref<16384xf32, #tpu.memory_space<vmem>>)
        tpu.yield
      }) : () -> ()
      %barrier3A_251 = arith.constant 0 : index
      tpu.barrier barrier_id(%barrier3A_251)
      %mul3A_252 = arith.constant 1024 : i32
      %mul3A_253 = arith.muli %arg1, %mul3A_252 : i32
      %add3A_254 = arith.constant 32768 : i32
      %add3A_255 = arith.addi %min3A_53, %add3A_254 : i32
      %add3A_256 = arith.addi %add3A_255, %mul3A_253 : i32
      %multiple_of3A_257 = tpu.assume_multiple %add3A_256, 128 : i32
      %multiple_of3A_258 = tpu.assume_multiple %mul3A_253, 128 : i32
      "tpu.region"() ({
        %run_scoped3A = tpu.sem_alloc : memref<!tpu.dma_semaphore, #tpu.memory_space<semaphore_mem>>
        %dma_start3A = arith.constant 0 : i32
        %dma_start3A_393 = tpu.memref_slice %arg6[%dma_start3A, %multiple_of3A_258] : memref<8x16384xf32, #tpu.memory_space<vmem_shared>> -> memref<8x1024xf32, #tpu.memory_space<vmem_shared>>
        %dma_start3A_394 = tpu.memref_slice %arg3[%multiple_of3A_228, %multiple_of3A_257] : memref<32x2600000xf32, #tpu.memory_space<hbm>> -> memref<8x1024xf32, #tpu.memory_space<hbm>>
        tpu.enqueue_dma source(%dma_start3A_394 : memref<8x1024xf32, #tpu.memory_space<hbm>>) target(%dma_start3A_393 : memref<8x1024xf32, #tpu.memory_space<vmem_shared>>) target_semaphore(%run_scoped3A : memref<!tpu.dma_semaphore, #tpu.memory_space<semaphore_mem>>)
        %dma_wait3A = arith.constant 0 : i32
        %dma_wait3A_395 = tpu.memref_slice %arg6[%dma_wait3A, %multiple_of3A_258] : memref<8x16384xf32, #tpu.memory_space<vmem_shared>> -> memref<8x1024xf32, #tpu.memory_space<vmem_shared>>
        %dma_wait3A_396 = tpu.memref_slice %arg3[%multiple_of3A_228, %multiple_of3A_257] : memref<32x2600000xf32, #tpu.memory_space<hbm>> -> memref<8x1024xf32, #tpu.memory_space<hbm>>
        tpu.wait_dma2 semaphore(%run_scoped3A : memref<!tpu.dma_semaphore, #tpu.memory_space<semaphore_mem>>) src(%dma_wait3A_396 : memref<8x1024xf32, #tpu.memory_space<hbm>>) dst(%dma_wait3A_395 : memref<8x1024xf32, #tpu.memory_space<vmem_shared>>)
        tpu.yield
      }) : () -> ()
      %barrier3A_259 = arith.constant 0 : index
      tpu.barrier barrier_id(%barrier3A_259)
      "tpu.region"() ({
        %run_scoped3A = tpu.sem_alloc : memref<!tpu.dma_semaphore, #tpu.memory_space<semaphore_mem>>
        %dma_start3A = arith.constant 32768 : i32
        %dma_start3A_393 = tpu.memref_slice %arg8[%dma_start3A] : memref<100352xf32, #tpu.memory_space<vmem>> -> memref<16384xf32, #tpu.memory_space<vmem>>
        %dma_start3A_394 = arith.constant 0 : i32
        %dma_start3A_395 = tpu.memref_slice %arg6[%rem3A_0, %dma_start3A_394] : memref<8x16384xf32, #tpu.memory_space<vmem_shared>> -> memref<1x16384xf32, #tpu.memory_space<vmem_shared>>
        %dma_start3A_396 = tpu.memref_squeeze %dma_start3A_395 : memref<1x16384xf32, #tpu.memory_space<vmem_shared>> -> memref<16384xf32, #tpu.memory_space<vmem_shared>>
        %dma_start3A_397 = arith.constant 32768 : i32
        %dma_start3A_398 = tpu.memref_slice %arg8[%dma_start3A_397] : memref<100352xf32, #tpu.memory_space<vmem>> -> memref<16384xf32, #tpu.memory_space<vmem>>
        %dma_start3A_399 = arith.constant 0 : i32
        %dma_start3A_400 = tpu.memref_slice %arg6[%rem3A_0, %dma_start3A_399] : memref<8x16384xf32, #tpu.memory_space<vmem_shared>> -> memref<1x16384xf32, #tpu.memory_space<vmem_shared>>
        %dma_start3A_401 = tpu.memref_squeeze %dma_start3A_400 : memref<1x16384xf32, #tpu.memory_space<vmem_shared>> -> memref<16384xf32, #tpu.memory_space<vmem_shared>>
        tpu.enqueue_dma source(%dma_start3A_401 : memref<16384xf32, #tpu.memory_space<vmem_shared>>) target(%dma_start3A_398 : memref<16384xf32, #tpu.memory_space<vmem>>) target_semaphore(%run_scoped3A : memref<!tpu.dma_semaphore, #tpu.memory_space<semaphore_mem>>)
        %dma_wait3A = arith.constant 32768 : i32
        %dma_wait3A_402 = tpu.memref_slice %arg8[%dma_wait3A] : memref<100352xf32, #tpu.memory_space<vmem>> -> memref<16384xf32, #tpu.memory_space<vmem>>
        %dma_wait3A_403 = arith.constant 0 : i32
        %dma_wait3A_404 = tpu.memref_slice %arg6[%rem3A_0, %dma_wait3A_403] : memref<8x16384xf32, #tpu.memory_space<vmem_shared>> -> memref<1x16384xf32, #tpu.memory_space<vmem_shared>>
        %dma_wait3A_405 = tpu.memref_squeeze %dma_wait3A_404 : memref<1x16384xf32, #tpu.memory_space<vmem_shared>> -> memref<16384xf32, #tpu.memory_space<vmem_shared>>
        %dma_wait3A_406 = arith.constant 32768 : i32
        %dma_wait3A_407 = tpu.memref_slice %arg8[%dma_wait3A_406] : memref<100352xf32, #tpu.memory_space<vmem>> -> memref<16384xf32, #tpu.memory_space<vmem>>
        %dma_wait3A_408 = arith.constant 0 : i32
        %dma_wait3A_409 = tpu.memref_slice %arg6[%rem3A_0, %dma_wait3A_408] : memref<8x16384xf32, #tpu.memory_space<vmem_shared>> -> memref<1x16384xf32, #tpu.memory_space<vmem_shared>>
        %dma_wait3A_410 = tpu.memref_squeeze %dma_wait3A_409 : memref<1x16384xf32, #tpu.memory_space<vmem_shared>> -> memref<16384xf32, #tpu.memory_space<vmem_shared>>
        tpu.wait_dma2 semaphore(%run_scoped3A : memref<!tpu.dma_semaphore, #tpu.memory_space<semaphore_mem>>) src(%dma_wait3A_410 : memref<16384xf32, #tpu.memory_space<vmem_shared>>) dst(%dma_wait3A_407 : memref<16384xf32, #tpu.memory_space<vmem>>)
        tpu.yield
      }) : () -> ()
      %barrier3A_260 = arith.constant 0 : index
      tpu.barrier barrier_id(%barrier3A_260)
      %mul3A_261 = arith.constant 1024 : i32
      %mul3A_262 = arith.muli %arg1, %mul3A_261 : i32
      %add3A_263 = arith.constant 49152 : i32
      %add3A_264 = arith.addi %min3A_53, %add3A_263 : i32
      %add3A_265 = arith.addi %add3A_264, %mul3A_262 : i32
      %multiple_of3A_266 = tpu.assume_multiple %add3A_265, 128 : i32
      %multiple_of3A_267 = tpu.assume_multiple %mul3A_262, 128 : i32
      "tpu.region"() ({
        %run_scoped3A = tpu.sem_alloc : memref<!tpu.dma_semaphore, #tpu.memory_space<semaphore_mem>>
        %dma_start3A = arith.constant 0 : i32
        %dma_start3A_393 = tpu.memref_slice %arg6[%dma_start3A, %multiple_of3A_267] : memref<8x16384xf32, #tpu.memory_space<vmem_shared>> -> memref<8x1024xf32, #tpu.memory_space<vmem_shared>>
        %dma_start3A_394 = tpu.memref_slice %arg3[%multiple_of3A_228, %multiple_of3A_266] : memref<32x2600000xf32, #tpu.memory_space<hbm>> -> memref<8x1024xf32, #tpu.memory_space<hbm>>
        tpu.enqueue_dma source(%dma_start3A_394 : memref<8x1024xf32, #tpu.memory_space<hbm>>) target(%dma_start3A_393 : memref<8x1024xf32, #tpu.memory_space<vmem_shared>>) target_semaphore(%run_scoped3A : memref<!tpu.dma_semaphore, #tpu.memory_space<semaphore_mem>>)
        %dma_wait3A = arith.constant 0 : i32
        %dma_wait3A_395 = tpu.memref_slice %arg6[%dma_wait3A, %multiple_of3A_267] : memref<8x16384xf32, #tpu.memory_space<vmem_shared>> -> memref<8x1024xf32, #tpu.memory_space<vmem_shared>>
        %dma_wait3A_396 = tpu.memref_slice %arg3[%multiple_of3A_228, %multiple_of3A_266] : memref<32x2600000xf32, #tpu.memory_space<hbm>> -> memref<8x1024xf32, #tpu.memory_space<hbm>>
        tpu.wait_dma2 semaphore(%run_scoped3A : memref<!tpu.dma_semaphore, #tpu.memory_space<semaphore_mem>>) src(%dma_wait3A_396 : memref<8x1024xf32, #tpu.memory_space<hbm>>) dst(%dma_wait3A_395 : memref<8x1024xf32, #tpu.memory_space<vmem_shared>>)
        tpu.yield
      }) : () -> ()
      %barrier3A_268 = arith.constant 0 : index
      tpu.barrier barrier_id(%barrier3A_268)
      "tpu.region"() ({
        %run_scoped3A = tpu.sem_alloc : memref<!tpu.dma_semaphore, #tpu.memory_space<semaphore_mem>>
        %dma_start3A = arith.constant 49152 : i32
        %dma_start3A_393 = tpu.memref_slice %arg8[%dma_start3A] : memref<100352xf32, #tpu.memory_space<vmem>> -> memref<16384xf32, #tpu.memory_space<vmem>>
        %dma_start3A_394 = arith.constant 0 : i32
        %dma_start3A_395 = tpu.memref_slice %arg6[%rem3A_0, %dma_start3A_394] : memref<8x16384xf32, #tpu.memory_space<vmem_shared>> -> memref<1x16384xf32, #tpu.memory_space<vmem_shared>>
        %dma_start3A_396 = tpu.memref_squeeze %dma_start3A_395 : memref<1x16384xf32, #tpu.memory_space<vmem_shared>> -> memref<16384xf32, #tpu.memory_space<vmem_shared>>
        %dma_start3A_397 = arith.constant 49152 : i32
        %dma_start3A_398 = tpu.memref_slice %arg8[%dma_start3A_397] : memref<100352xf32, #tpu.memory_space<vmem>> -> memref<16384xf32, #tpu.memory_space<vmem>>
        %dma_start3A_399 = arith.constant 0 : i32
        %dma_start3A_400 = tpu.memref_slice %arg6[%rem3A_0, %dma_start3A_399] : memref<8x16384xf32, #tpu.memory_space<vmem_shared>> -> memref<1x16384xf32, #tpu.memory_space<vmem_shared>>
        %dma_start3A_401 = tpu.memref_squeeze %dma_start3A_400 : memref<1x16384xf32, #tpu.memory_space<vmem_shared>> -> memref<16384xf32, #tpu.memory_space<vmem_shared>>
        tpu.enqueue_dma source(%dma_start3A_401 : memref<16384xf32, #tpu.memory_space<vmem_shared>>) target(%dma_start3A_398 : memref<16384xf32, #tpu.memory_space<vmem>>) target_semaphore(%run_scoped3A : memref<!tpu.dma_semaphore, #tpu.memory_space<semaphore_mem>>)
        %dma_wait3A = arith.constant 49152 : i32
        %dma_wait3A_402 = tpu.memref_slice %arg8[%dma_wait3A] : memref<100352xf32, #tpu.memory_space<vmem>> -> memref<16384xf32, #tpu.memory_space<vmem>>
        %dma_wait3A_403 = arith.constant 0 : i32
        %dma_wait3A_404 = tpu.memref_slice %arg6[%rem3A_0, %dma_wait3A_403] : memref<8x16384xf32, #tpu.memory_space<vmem_shared>> -> memref<1x16384xf32, #tpu.memory_space<vmem_shared>>
        %dma_wait3A_405 = tpu.memref_squeeze %dma_wait3A_404 : memref<1x16384xf32, #tpu.memory_space<vmem_shared>> -> memref<16384xf32, #tpu.memory_space<vmem_shared>>
        %dma_wait3A_406 = arith.constant 49152 : i32
        %dma_wait3A_407 = tpu.memref_slice %arg8[%dma_wait3A_406] : memref<100352xf32, #tpu.memory_space<vmem>> -> memref<16384xf32, #tpu.memory_space<vmem>>
        %dma_wait3A_408 = arith.constant 0 : i32
        %dma_wait3A_409 = tpu.memref_slice %arg6[%rem3A_0, %dma_wait3A_408] : memref<8x16384xf32, #tpu.memory_space<vmem_shared>> -> memref<1x16384xf32, #tpu.memory_space<vmem_shared>>
        %dma_wait3A_410 = tpu.memref_squeeze %dma_wait3A_409 : memref<1x16384xf32, #tpu.memory_space<vmem_shared>> -> memref<16384xf32, #tpu.memory_space<vmem_shared>>
        tpu.wait_dma2 semaphore(%run_scoped3A : memref<!tpu.dma_semaphore, #tpu.memory_space<semaphore_mem>>) src(%dma_wait3A_410 : memref<16384xf32, #tpu.memory_space<vmem_shared>>) dst(%dma_wait3A_407 : memref<16384xf32, #tpu.memory_space<vmem>>)
        tpu.yield
      }) : () -> ()
      %barrier3A_269 = arith.constant 0 : index
      tpu.barrier barrier_id(%barrier3A_269)
      %mul3A_270 = arith.constant 1024 : i32
      %mul3A_271 = arith.muli %arg1, %mul3A_270 : i32
      %add3A_272 = arith.constant 65536 : i32
      %add3A_273 = arith.addi %min3A_53, %add3A_272 : i32
      %add3A_274 = arith.addi %add3A_273, %mul3A_271 : i32
      %multiple_of3A_275 = tpu.assume_multiple %add3A_274, 128 : i32
      %multiple_of3A_276 = tpu.assume_multiple %mul3A_271, 128 : i32
      "tpu.region"() ({
        %run_scoped3A = tpu.sem_alloc : memref<!tpu.dma_semaphore, #tpu.memory_space<semaphore_mem>>
        %dma_start3A = arith.constant 0 : i32
        %dma_start3A_393 = tpu.memref_slice %arg6[%dma_start3A, %multiple_of3A_276] : memref<8x16384xf32, #tpu.memory_space<vmem_shared>> -> memref<8x1024xf32, #tpu.memory_space<vmem_shared>>
        %dma_start3A_394 = tpu.memref_slice %arg3[%multiple_of3A_228, %multiple_of3A_275] : memref<32x2600000xf32, #tpu.memory_space<hbm>> -> memref<8x1024xf32, #tpu.memory_space<hbm>>
        tpu.enqueue_dma source(%dma_start3A_394 : memref<8x1024xf32, #tpu.memory_space<hbm>>) target(%dma_start3A_393 : memref<8x1024xf32, #tpu.memory_space<vmem_shared>>) target_semaphore(%run_scoped3A : memref<!tpu.dma_semaphore, #tpu.memory_space<semaphore_mem>>)
        %dma_wait3A = arith.constant 0 : i32
        %dma_wait3A_395 = tpu.memref_slice %arg6[%dma_wait3A, %multiple_of3A_276] : memref<8x16384xf32, #tpu.memory_space<vmem_shared>> -> memref<8x1024xf32, #tpu.memory_space<vmem_shared>>
        %dma_wait3A_396 = tpu.memref_slice %arg3[%multiple_of3A_228, %multiple_of3A_275] : memref<32x2600000xf32, #tpu.memory_space<hbm>> -> memref<8x1024xf32, #tpu.memory_space<hbm>>
        tpu.wait_dma2 semaphore(%run_scoped3A : memref<!tpu.dma_semaphore, #tpu.memory_space<semaphore_mem>>) src(%dma_wait3A_396 : memref<8x1024xf32, #tpu.memory_space<hbm>>) dst(%dma_wait3A_395 : memref<8x1024xf32, #tpu.memory_space<vmem_shared>>)
        tpu.yield
      }) : () -> ()
      %barrier3A_277 = arith.constant 0 : index
      tpu.barrier barrier_id(%barrier3A_277)
      "tpu.region"() ({
        %run_scoped3A = tpu.sem_alloc : memref<!tpu.dma_semaphore, #tpu.memory_space<semaphore_mem>>
        %dma_start3A = arith.constant 65536 : i32
        %dma_start3A_393 = tpu.memref_slice %arg8[%dma_start3A] : memref<100352xf32, #tpu.memory_space<vmem>> -> memref<16384xf32, #tpu.memory_space<vmem>>
        %dma_start3A_394 = arith.constant 0 : i32
        %dma_start3A_395 = tpu.memref_slice %arg6[%rem3A_0, %dma_start3A_394] : memref<8x16384xf32, #tpu.memory_space<vmem_shared>> -> memref<1x16384xf32, #tpu.memory_space<vmem_shared>>
        %dma_start3A_396 = tpu.memref_squeeze %dma_start3A_395 : memref<1x16384xf32, #tpu.memory_space<vmem_shared>> -> memref<16384xf32, #tpu.memory_space<vmem_shared>>
        %dma_start3A_397 = arith.constant 65536 : i32
        %dma_start3A_398 = tpu.memref_slice %arg8[%dma_start3A_397] : memref<100352xf32, #tpu.memory_space<vmem>> -> memref<16384xf32, #tpu.memory_space<vmem>>
        %dma_start3A_399 = arith.constant 0 : i32
        %dma_start3A_400 = tpu.memref_slice %arg6[%rem3A_0, %dma_start3A_399] : memref<8x16384xf32, #tpu.memory_space<vmem_shared>> -> memref<1x16384xf32, #tpu.memory_space<vmem_shared>>
        %dma_start3A_401 = tpu.memref_squeeze %dma_start3A_400 : memref<1x16384xf32, #tpu.memory_space<vmem_shared>> -> memref<16384xf32, #tpu.memory_space<vmem_shared>>
        tpu.enqueue_dma source(%dma_start3A_401 : memref<16384xf32, #tpu.memory_space<vmem_shared>>) target(%dma_start3A_398 : memref<16384xf32, #tpu.memory_space<vmem>>) target_semaphore(%run_scoped3A : memref<!tpu.dma_semaphore, #tpu.memory_space<semaphore_mem>>)
        %dma_wait3A = arith.constant 65536 : i32
        %dma_wait3A_402 = tpu.memref_slice %arg8[%dma_wait3A] : memref<100352xf32, #tpu.memory_space<vmem>> -> memref<16384xf32, #tpu.memory_space<vmem>>
        %dma_wait3A_403 = arith.constant 0 : i32
        %dma_wait3A_404 = tpu.memref_slice %arg6[%rem3A_0, %dma_wait3A_403] : memref<8x16384xf32, #tpu.memory_space<vmem_shared>> -> memref<1x16384xf32, #tpu.memory_space<vmem_shared>>
        %dma_wait3A_405 = tpu.memref_squeeze %dma_wait3A_404 : memref<1x16384xf32, #tpu.memory_space<vmem_shared>> -> memref<16384xf32, #tpu.memory_space<vmem_shared>>
        %dma_wait3A_406 = arith.constant 65536 : i32
        %dma_wait3A_407 = tpu.memref_slice %arg8[%dma_wait3A_406] : memref<100352xf32, #tpu.memory_space<vmem>> -> memref<16384xf32, #tpu.memory_space<vmem>>
        %dma_wait3A_408 = arith.constant 0 : i32
        %dma_wait3A_409 = tpu.memref_slice %arg6[%rem3A_0, %dma_wait3A_408] : memref<8x16384xf32, #tpu.memory_space<vmem_shared>> -> memref<1x16384xf32, #tpu.memory_space<vmem_shared>>
        %dma_wait3A_410 = tpu.memref_squeeze %dma_wait3A_409 : memref<1x16384xf32, #tpu.memory_space<vmem_shared>> -> memref<16384xf32, #tpu.memory_space<vmem_shared>>
        tpu.wait_dma2 semaphore(%run_scoped3A : memref<!tpu.dma_semaphore, #tpu.memory_space<semaphore_mem>>) src(%dma_wait3A_410 : memref<16384xf32, #tpu.memory_space<vmem_shared>>) dst(%dma_wait3A_407 : memref<16384xf32, #tpu.memory_space<vmem>>)
        tpu.yield
      }) : () -> ()
      %barrier3A_278 = arith.constant 0 : index
      tpu.barrier barrier_id(%barrier3A_278)
      %mul3A_279 = arith.constant 1024 : i32
      %mul3A_280 = arith.muli %arg1, %mul3A_279 : i32
      %add3A_281 = arith.constant 81920 : i32
      %add3A_282 = arith.addi %min3A_53, %add3A_281 : i32
      %add3A_283 = arith.addi %add3A_282, %mul3A_280 : i32
      %multiple_of3A_284 = tpu.assume_multiple %add3A_283, 128 : i32
      %multiple_of3A_285 = tpu.assume_multiple %mul3A_280, 128 : i32
      "tpu.region"() ({
        %run_scoped3A = tpu.sem_alloc : memref<!tpu.dma_semaphore, #tpu.memory_space<semaphore_mem>>
        %dma_start3A = arith.constant 0 : i32
        %dma_start3A_393 = tpu.memref_slice %arg6[%dma_start3A, %multiple_of3A_285] : memref<8x16384xf32, #tpu.memory_space<vmem_shared>> -> memref<8x1024xf32, #tpu.memory_space<vmem_shared>>
        %dma_start3A_394 = tpu.memref_slice %arg3[%multiple_of3A_228, %multiple_of3A_284] : memref<32x2600000xf32, #tpu.memory_space<hbm>> -> memref<8x1024xf32, #tpu.memory_space<hbm>>
        tpu.enqueue_dma source(%dma_start3A_394 : memref<8x1024xf32, #tpu.memory_space<hbm>>) target(%dma_start3A_393 : memref<8x1024xf32, #tpu.memory_space<vmem_shared>>) target_semaphore(%run_scoped3A : memref<!tpu.dma_semaphore, #tpu.memory_space<semaphore_mem>>)
        %dma_wait3A = arith.constant 0 : i32
        %dma_wait3A_395 = tpu.memref_slice %arg6[%dma_wait3A, %multiple_of3A_285] : memref<8x16384xf32, #tpu.memory_space<vmem_shared>> -> memref<8x1024xf32, #tpu.memory_space<vmem_shared>>
        %dma_wait3A_396 = tpu.memref_slice %arg3[%multiple_of3A_228, %multiple_of3A_284] : memref<32x2600000xf32, #tpu.memory_space<hbm>> -> memref<8x1024xf32, #tpu.memory_space<hbm>>
        tpu.wait_dma2 semaphore(%run_scoped3A : memref<!tpu.dma_semaphore, #tpu.memory_space<semaphore_mem>>) src(%dma_wait3A_396 : memref<8x1024xf32, #tpu.memory_space<hbm>>) dst(%dma_wait3A_395 : memref<8x1024xf32, #tpu.memory_space<vmem_shared>>)
        tpu.yield
      }) : () -> ()
      %barrier3A_286 = arith.constant 0 : index
      tpu.barrier barrier_id(%barrier3A_286)
      "tpu.region"() ({
        %run_scoped3A = tpu.sem_alloc : memref<!tpu.dma_semaphore, #tpu.memory_space<semaphore_mem>>
        %dma_start3A = arith.constant 81920 : i32
        %dma_start3A_393 = tpu.memref_slice %arg8[%dma_start3A] : memref<100352xf32, #tpu.memory_space<vmem>> -> memref<16384xf32, #tpu.memory_space<vmem>>
        %dma_start3A_394 = arith.constant 0 : i32
        %dma_start3A_395 = tpu.memref_slice %arg6[%rem3A_0, %dma_start3A_394] : memref<8x16384xf32, #tpu.memory_space<vmem_shared>> -> memref<1x16384xf32, #tpu.memory_space<vmem_shared>>
        %dma_start3A_396 = tpu.memref_squeeze %dma_start3A_395 : memref<1x16384xf32, #tpu.memory_space<vmem_shared>> -> memref<16384xf32, #tpu.memory_space<vmem_shared>>
        %dma_start3A_397 = arith.constant 81920 : i32
        %dma_start3A_398 = tpu.memref_slice %arg8[%dma_start3A_397] : memref<100352xf32, #tpu.memory_space<vmem>> -> memref<16384xf32, #tpu.memory_space<vmem>>
        %dma_start3A_399 = arith.constant 0 : i32
        %dma_start3A_400 = tpu.memref_slice %arg6[%rem3A_0, %dma_start3A_399] : memref<8x16384xf32, #tpu.memory_space<vmem_shared>> -> memref<1x16384xf32, #tpu.memory_space<vmem_shared>>
        %dma_start3A_401 = tpu.memref_squeeze %dma_start3A_400 : memref<1x16384xf32, #tpu.memory_space<vmem_shared>> -> memref<16384xf32, #tpu.memory_space<vmem_shared>>
        tpu.enqueue_dma source(%dma_start3A_401 : memref<16384xf32, #tpu.memory_space<vmem_shared>>) target(%dma_start3A_398 : memref<16384xf32, #tpu.memory_space<vmem>>) target_semaphore(%run_scoped3A : memref<!tpu.dma_semaphore, #tpu.memory_space<semaphore_mem>>)
        %dma_wait3A = arith.constant 81920 : i32
        %dma_wait3A_402 = tpu.memref_slice %arg8[%dma_wait3A] : memref<100352xf32, #tpu.memory_space<vmem>> -> memref<16384xf32, #tpu.memory_space<vmem>>
        %dma_wait3A_403 = arith.constant 0 : i32
        %dma_wait3A_404 = tpu.memref_slice %arg6[%rem3A_0, %dma_wait3A_403] : memref<8x16384xf32, #tpu.memory_space<vmem_shared>> -> memref<1x16384xf32, #tpu.memory_space<vmem_shared>>
        %dma_wait3A_405 = tpu.memref_squeeze %dma_wait3A_404 : memref<1x16384xf32, #tpu.memory_space<vmem_shared>> -> memref<16384xf32, #tpu.memory_space<vmem_shared>>
        %dma_wait3A_406 = arith.constant 81920 : i32
        %dma_wait3A_407 = tpu.memref_slice %arg8[%dma_wait3A_406] : memref<100352xf32, #tpu.memory_space<vmem>> -> memref<16384xf32, #tpu.memory_space<vmem>>
        %dma_wait3A_408 = arith.constant 0 : i32
        %dma_wait3A_409 = tpu.memref_slice %arg6[%rem3A_0, %dma_wait3A_408] : memref<8x16384xf32, #tpu.memory_space<vmem_shared>> -> memref<1x16384xf32, #tpu.memory_space<vmem_shared>>
        %dma_wait3A_410 = tpu.memref_squeeze %dma_wait3A_409 : memref<1x16384xf32, #tpu.memory_space<vmem_shared>> -> memref<16384xf32, #tpu.memory_space<vmem_shared>>
        tpu.wait_dma2 semaphore(%run_scoped3A : memref<!tpu.dma_semaphore, #tpu.memory_space<semaphore_mem>>) src(%dma_wait3A_410 : memref<16384xf32, #tpu.memory_space<vmem_shared>>) dst(%dma_wait3A_407 : memref<16384xf32, #tpu.memory_space<vmem>>)
        tpu.yield
      }) : () -> ()
      %barrier3A_287 = arith.constant 0 : index
      tpu.barrier barrier_id(%barrier3A_287)
      %mul3A_288 = arith.constant 128 : i32
      %mul3A_289 = arith.muli %arg1, %mul3A_288 : i32
      %add3A_290 = arith.constant 98304 : i32
      %add3A_291 = arith.addi %min3A_53, %add3A_290 : i32
      %add3A_292 = arith.addi %add3A_291, %mul3A_289 : i32
      %multiple_of3A_293 = tpu.assume_multiple %add3A_292, 128 : i32
      %multiple_of3A_294 = tpu.assume_multiple %mul3A_289, 128 : i32
      "tpu.region"() ({
        %run_scoped3A = tpu.sem_alloc : memref<!tpu.dma_semaphore, #tpu.memory_space<semaphore_mem>>
        %dma_start3A = arith.constant 0 : i32
        %dma_start3A_393 = tpu.memref_slice %arg6[%dma_start3A, %multiple_of3A_294] : memref<8x16384xf32, #tpu.memory_space<vmem_shared>> -> memref<8x128xf32, #tpu.memory_space<vmem_shared>>
        %dma_start3A_394 = tpu.memref_slice %arg3[%multiple_of3A_228, %multiple_of3A_293] : memref<32x2600000xf32, #tpu.memory_space<hbm>> -> memref<8x128xf32, #tpu.memory_space<hbm>>
        tpu.enqueue_dma source(%dma_start3A_394 : memref<8x128xf32, #tpu.memory_space<hbm>>) target(%dma_start3A_393 : memref<8x128xf32, #tpu.memory_space<vmem_shared>>) target_semaphore(%run_scoped3A : memref<!tpu.dma_semaphore, #tpu.memory_space<semaphore_mem>>)
        %dma_wait3A = arith.constant 0 : i32
        %dma_wait3A_395 = tpu.memref_slice %arg6[%dma_wait3A, %multiple_of3A_294] : memref<8x16384xf32, #tpu.memory_space<vmem_shared>> -> memref<8x128xf32, #tpu.memory_space<vmem_shared>>
        %dma_wait3A_396 = tpu.memref_slice %arg3[%multiple_of3A_228, %multiple_of3A_293] : memref<32x2600000xf32, #tpu.memory_space<hbm>> -> memref<8x128xf32, #tpu.memory_space<hbm>>
        tpu.wait_dma2 semaphore(%run_scoped3A : memref<!tpu.dma_semaphore, #tpu.memory_space<semaphore_mem>>) src(%dma_wait3A_396 : memref<8x128xf32, #tpu.memory_space<hbm>>) dst(%dma_wait3A_395 : memref<8x128xf32, #tpu.memory_space<vmem_shared>>)
        tpu.yield
      }) : () -> ()
      %barrier3A_295 = arith.constant 0 : index
      tpu.barrier barrier_id(%barrier3A_295)
      "tpu.region"() ({
        %run_scoped3A = tpu.sem_alloc : memref<!tpu.dma_semaphore, #tpu.memory_space<semaphore_mem>>
        %dma_start3A = arith.constant 98304 : i32
        %dma_start3A_393 = tpu.memref_slice %arg8[%dma_start3A] : memref<100352xf32, #tpu.memory_space<vmem>> -> memref<2048xf32, #tpu.memory_space<vmem>>
        %dma_start3A_394 = arith.constant 0 : i32
        %dma_start3A_395 = tpu.memref_slice %arg6[%rem3A_0, %dma_start3A_394] : memref<8x16384xf32, #tpu.memory_space<vmem_shared>> -> memref<1x2048xf32, #tpu.memory_space<vmem_shared>>
        %dma_start3A_396 = tpu.memref_squeeze %dma_start3A_395 : memref<1x2048xf32, #tpu.memory_space<vmem_shared>> -> memref<2048xf32, #tpu.memory_space<vmem_shared>>
        %dma_start3A_397 = arith.constant 98304 : i32
        %dma_start3A_398 = tpu.memref_slice %arg8[%dma_start3A_397] : memref<100352xf32, #tpu.memory_space<vmem>> -> memref<2048xf32, #tpu.memory_space<vmem>>
        %dma_start3A_399 = arith.constant 0 : i32
        %dma_start3A_400 = tpu.memref_slice %arg6[%rem3A_0, %dma_start3A_399] : memref<8x16384xf32, #tpu.memory_space<vmem_shared>> -> memref<1x2048xf32, #tpu.memory_space<vmem_shared>>
        %dma_start3A_401 = tpu.memref_squeeze %dma_start3A_400 : memref<1x2048xf32, #tpu.memory_space<vmem_shared>> -> memref<2048xf32, #tpu.memory_space<vmem_shared>>
        tpu.enqueue_dma source(%dma_start3A_401 : memref<2048xf32, #tpu.memory_space<vmem_shared>>) target(%dma_start3A_398 : memref<2048xf32, #tpu.memory_space<vmem>>) target_semaphore(%run_scoped3A : memref<!tpu.dma_semaphore, #tpu.memory_space<semaphore_mem>>)
        %dma_wait3A = arith.constant 98304 : i32
        %dma_wait3A_402 = tpu.memref_slice %arg8[%dma_wait3A] : memref<100352xf32, #tpu.memory_space<vmem>> -> memref<2048xf32, #tpu.memory_space<vmem>>
        %dma_wait3A_403 = arith.constant 0 : i32
        %dma_wait3A_404 = tpu.memref_slice %arg6[%rem3A_0, %dma_wait3A_403] : memref<8x16384xf32, #tpu.memory_space<vmem_shared>> -> memref<1x2048xf32, #tpu.memory_space<vmem_shared>>
        %dma_wait3A_405 = tpu.memref_squeeze %dma_wait3A_404 : memref<1x2048xf32, #tpu.memory_space<vmem_shared>> -> memref<2048xf32, #tpu.memory_space<vmem_shared>>
        %dma_wait3A_406 = arith.constant 98304 : i32
        %dma_wait3A_407 = tpu.memref_slice %arg8[%dma_wait3A_406] : memref<100352xf32, #tpu.memory_space<vmem>> -> memref<2048xf32, #tpu.memory_space<vmem>>
        %dma_wait3A_408 = arith.constant 0 : i32
        %dma_wait3A_409 = tpu.memref_slice %arg6[%rem3A_0, %dma_wait3A_408] : memref<8x16384xf32, #tpu.memory_space<vmem_shared>> -> memref<1x2048xf32, #tpu.memory_space<vmem_shared>>
        %dma_wait3A_410 = tpu.memref_squeeze %dma_wait3A_409 : memref<1x2048xf32, #tpu.memory_space<vmem_shared>> -> memref<2048xf32, #tpu.memory_space<vmem_shared>>
        tpu.wait_dma2 semaphore(%run_scoped3A : memref<!tpu.dma_semaphore, #tpu.memory_space<semaphore_mem>>) src(%dma_wait3A_410 : memref<2048xf32, #tpu.memory_space<vmem_shared>>) dst(%dma_wait3A_407 : memref<2048xf32, #tpu.memory_space<vmem>>)
        tpu.yield
      }) : () -> ()
      %barrier3A_296 = arith.constant 0 : index
      tpu.barrier barrier_id(%barrier3A_296)
      %mul3A_297 = arith.constant 128 : i32
      %mul3A_298 = arith.muli %scan3A_24, %mul3A_297 : i32
      %add3A_299 = arith.addi %mul3A_298, %mul3A_18 : i32
      %add3A_300 = arith.constant 0 : i32
      %add3A_301 = arith.addi %add3A_299, %add3A_300 : i32
      %multiple_of3A_302 = tpu.assume_multiple %add3A_301, 8 : i32
      "tpu.region"() ({
        %run_scoped3A = tpu.sem_alloc : memref<!tpu.dma_semaphore, #tpu.memory_space<semaphore_mem>>
        %dma_start3A = arith.constant 0 : i32
        %dma_start3A_393 = tpu.memref_slice %arg2[%multiple_of3A_302, %dma_start3A] : memref<3328x128xi32, #tpu.memory_space<hbm>> -> memref<32x128xi32, #tpu.memory_space<hbm>>
        %dma_start3A_394 = arith.constant 0 : i32
        %dma_start3A_395 = tpu.memref_slice %arg2[%multiple_of3A_302, %dma_start3A_394] : memref<3328x128xi32, #tpu.memory_space<hbm>> -> memref<32x128xi32, #tpu.memory_space<hbm>>
        tpu.enqueue_dma source(%dma_start3A_395 : memref<32x128xi32, #tpu.memory_space<hbm>>) target(%arg9 : memref<32x128xi32, #tpu.memory_space<vmem>>) target_semaphore(%run_scoped3A : memref<!tpu.dma_semaphore, #tpu.memory_space<semaphore_mem>>)
        %dma_wait3A = arith.constant 0 : i32
        %dma_wait3A_396 = tpu.memref_slice %arg2[%multiple_of3A_302, %dma_wait3A] : memref<3328x128xi32, #tpu.memory_space<hbm>> -> memref<32x128xi32, #tpu.memory_space<hbm>>
        %dma_wait3A_397 = arith.constant 0 : i32
        %dma_wait3A_398 = tpu.memref_slice %arg2[%multiple_of3A_302, %dma_wait3A_397] : memref<3328x128xi32, #tpu.memory_space<hbm>> -> memref<32x128xi32, #tpu.memory_space<hbm>>
        tpu.wait_dma2 semaphore(%run_scoped3A : memref<!tpu.dma_semaphore, #tpu.memory_space<semaphore_mem>>) src(%dma_wait3A_398 : memref<32x128xi32, #tpu.memory_space<hbm>>) dst(%arg9 : memref<32x128xi32, #tpu.memory_space<vmem>>)
        tpu.yield
      }) : () -> ()
      %scan3A_303 = arith.constant 0 : i32
      %scan3A_304 = arith.constant 0 : i32
      %scan3A_305 = arith.constant 256 : i32
      %scan3A_306 = arith.addi %scan3A_304, %scan3A_305 : i32
      %scan3A_307 = arith.constant 1 : i32
      scf.for %scan3A_393 = %scan3A_304 to %scan3A_306 step %scan3A_307  : i32 {
        %mul3A_394 = arith.constant 16 : i32
        %mul3A_395 = arith.muli %scan3A_393, %mul3A_394 : i32
        %add3A_396 = arith.constant 0 : i32
        %add3A_397 = arith.addi %add3A_396, %mul3A_395 : i32
        %jit3A_398 = arith.constant 8 : i32
        %div3A_399 = arith.divsi %scan3A_393, %jit3A_398 : i32
        %sign3A_400 = arith.constant 0 : i32
        %sign3A_401 = arith.cmpi sgt, %scan3A_393, %sign3A_400 : i32
        %sign3A_402 = arith.extui %sign3A_401 : i1 to i32
        %sign3A_403 = arith.constant 0 : i32
        %sign3A_404 = arith.cmpi slt, %scan3A_393, %sign3A_403 : i32
        %sign3A_405 = arith.extui %sign3A_404 : i1 to i32
        %sign3A_406 = arith.subi %sign3A_402, %sign3A_405 : i32
        %sign3A_407 = arith.constant 0 : i32
        %sign3A_408 = arith.cmpi sgt, %jit3A_398, %sign3A_407 : i32
        %sign3A_409 = arith.extui %sign3A_408 : i1 to i32
        %sign3A_410 = arith.constant 0 : i32
        %sign3A_411 = arith.cmpi slt, %jit3A_398, %sign3A_410 : i32
        %sign3A_412 = arith.extui %sign3A_411 : i1 to i32
        %sign3A_413 = arith.subi %sign3A_409, %sign3A_412 : i32
        %ne3A_414 = arith.cmpi ne, %sign3A_406, %sign3A_413 : i32
        %rem3A_415 = arith.remsi %scan3A_393, %jit3A_398 : i32
        %ne3A_416 = arith.constant 0 : i32
        %ne3A_417 = arith.cmpi ne, %rem3A_415, %ne3A_416 : i32
        %and3A_418 = arith.andi %ne3A_414, %ne3A_417 : i1
        %sub3A_419 = arith.constant 1 : i32
        %sub3A_420 = arith.subi %div3A_399, %sub3A_419 : i32
        %select_n3A_421 = arith.select %and3A_418, %sub3A_420, %div3A_399 : i32
        %jit3A_422 = arith.constant 8 : i32
        %eq3A_423 = arith.constant 0 : i32
        %eq3A_424 = arith.cmpi eq, %jit3A_422, %eq3A_423 : i32
        %jit3A_425 = arith.constant 1 : i32
        %select_n3A_426 = arith.select %eq3A_424, %jit3A_425, %jit3A_422 : i32
        %rem3A_427 = arith.remsi %scan3A_393, %select_n3A_426 : i32
        %ne3A_428 = arith.constant 0 : i32
        %ne3A_429 = arith.cmpi ne, %rem3A_427, %ne3A_428 : i32
        %lt3A = arith.constant 0 : i32
        %lt3A_430 = arith.cmpi slt, %rem3A_427, %lt3A : i32
        %lt3A_431 = arith.constant 0 : i32
        %lt3A_432 = arith.cmpi slt, %select_n3A_426, %lt3A_431 : i32
        %ne3A_433 = arith.xori %lt3A_430, %lt3A_432 : i1
        %and3A_434 = arith.andi %ne3A_433, %ne3A_429 : i1
        %add3A_435 = arith.addi %rem3A_427, %select_n3A_426 : i32
        %select_n3A_436 = arith.select %and3A_434, %add3A_435, %rem3A_427 : i32
        %mul3A_437 = arith.constant 16 : i32
        %mul3A_438 = arith.muli %select_n3A_436, %mul3A_437 : i32
        %get3A = arith.index_cast %select_n3A_421 : i32 to index
        %get3A_439 = arith.index_cast %mul3A_438 : i32 to index
        %get3A_440 = tpu.vector_load %arg9[%get3A, %get3A_439] {strides = array<i32>} : memref<32x128xi32, #tpu.memory_space<vmem>>, vector<16xi32>,
        %add3A_441 = vector.broadcast %sub3A_56 : i32 to vector<16xi32>
        %add3A_442 = arith.addi %get3A_440, %add3A_441 : vector<16xi32>
        %min3A_443 = arith.constant 100351 : i32
        %min3A_444 = vector.broadcast %min3A_443 : i32 to vector<16xi32>
        %min3A_445 = arith.minsi %add3A_442, %min3A_444 : vector<16xi32>
        %gather3A = tpu.vector_load_idx %arg8[%min3A_445] : memref<100352xf32, #tpu.memory_space<vmem>>[vector<16xi32>], vector<16xf32>,
        %sub3A_446 = vector.broadcast %sub3A_60 : i32 to vector<16xi32>
        %sub3A_447 = arith.subi %get3A_440, %sub3A_446 : vector<16xi32>
        %max3A = arith.constant 0 : i32
        %max3A_448 = vector.broadcast %max3A : i32 to vector<16xi32>
        %max3A_449 = arith.maxsi %sub3A_447, %max3A_448 : vector<16xi32>
        %broadcast_in_dim3A = vector.broadcast %add3A_233 : i32 to vector<16xi32>
        %gather3A_450 = tpu.vector_load_idx %arg11[%broadcast_in_dim3A, %max3A_449] : memref<32x128xf32, #tpu.memory_space<vmem>>[vector<16xi32>, vector<16xi32>], vector<16xf32>,
        %ge3A = vector.broadcast %sub3A_60 : i32 to vector<16xi32>
        %ge3A_451 = arith.cmpi sge, %get3A_440, %ge3A : vector<16xi32>
        %select_n3A_452 = arith.select %ge3A_451, %gather3A_450, %gather3A : vector<16xi1>, vector<16xf32>
        %swap3A = arith.index_cast %add3A_397 : i32 to index
        %swap3A_453 = tpu.vector_load %arg10[%swap3A] {strides = array<i32>} : memref<8192xf32, #tpu.memory_space<vmem>>, vector<16xf32>,
        tpu.vector_store %arg10[%swap3A], %select_n3A_452 {strides = array<i32>} : memref<8192xf32, #tpu.memory_space<vmem>>, vector<16xf32>,
      }
      %scan3A_308 = arith.constant 256 : i32
      %mul3A_309 = arith.constant 128 : i32
      %mul3A_310 = arith.muli %scan3A_24, %mul3A_309 : i32
      %add3A_311 = arith.addi %mul3A_310, %mul3A_18 : i32
      %add3A_312 = arith.constant 32 : i32
      %add3A_313 = arith.addi %add3A_311, %add3A_312 : i32
      %multiple_of3A_314 = tpu.assume_multiple %add3A_313, 8 : i32
      "tpu.region"() ({
        %run_scoped3A = tpu.sem_alloc : memref<!tpu.dma_semaphore, #tpu.memory_space<semaphore_mem>>
        %dma_start3A = arith.constant 0 : i32
        %dma_start3A_393 = tpu.memref_slice %arg2[%multiple_of3A_314, %dma_start3A] : memref<3328x128xi32, #tpu.memory_space<hbm>> -> memref<32x128xi32, #tpu.memory_space<hbm>>
        %dma_start3A_394 = arith.constant 0 : i32
        %dma_start3A_395 = tpu.memref_slice %arg2[%multiple_of3A_314, %dma_start3A_394] : memref<3328x128xi32, #tpu.memory_space<hbm>> -> memref<32x128xi32, #tpu.memory_space<hbm>>
        tpu.enqueue_dma source(%dma_start3A_395 : memref<32x128xi32, #tpu.memory_space<hbm>>) target(%arg9 : memref<32x128xi32, #tpu.memory_space<vmem>>) target_semaphore(%run_scoped3A : memref<!tpu.dma_semaphore, #tpu.memory_space<semaphore_mem>>)
        %dma_wait3A = arith.constant 0 : i32
        %dma_wait3A_396 = tpu.memref_slice %arg2[%multiple_of3A_314, %dma_wait3A] : memref<3328x128xi32, #tpu.memory_space<hbm>> -> memref<32x128xi32, #tpu.memory_space<hbm>>
        %dma_wait3A_397 = arith.constant 0 : i32
        %dma_wait3A_398 = tpu.memref_slice %arg2[%multiple_of3A_314, %dma_wait3A_397] : memref<3328x128xi32, #tpu.memory_space<hbm>> -> memref<32x128xi32, #tpu.memory_space<hbm>>
        tpu.wait_dma2 semaphore(%run_scoped3A : memref<!tpu.dma_semaphore, #tpu.memory_space<semaphore_mem>>) src(%dma_wait3A_398 : memref<32x128xi32, #tpu.memory_space<hbm>>) dst(%arg9 : memref<32x128xi32, #tpu.memory_space<vmem>>)
        tpu.yield
      }) : () -> ()
      %scan3A_315 = arith.constant 0 : i32
      %scan3A_316 = arith.constant 0 : i32
      %scan3A_317 = arith.constant 256 : i32
      %scan3A_318 = arith.addi %scan3A_316, %scan3A_317 : i32
      %scan3A_319 = arith.constant 1 : i32
      scf.for %scan3A_393 = %scan3A_316 to %scan3A_318 step %scan3A_319  : i32 {
        %mul3A_394 = arith.constant 16 : i32
        %mul3A_395 = arith.muli %scan3A_393, %mul3A_394 : i32
        %add3A_396 = arith.constant 4096 : i32
        %add3A_397 = arith.addi %add3A_396, %mul3A_395 : i32
        %jit3A_398 = arith.constant 8 : i32
        %div3A_399 = arith.divsi %scan3A_393, %jit3A_398 : i32
        %sign3A_400 = arith.constant 0 : i32
        %sign3A_401 = arith.cmpi sgt, %scan3A_393, %sign3A_400 : i32
        %sign3A_402 = arith.extui %sign3A_401 : i1 to i32
        %sign3A_403 = arith.constant 0 : i32
        %sign3A_404 = arith.cmpi slt, %scan3A_393, %sign3A_403 : i32
        %sign3A_405 = arith.extui %sign3A_404 : i1 to i32
        %sign3A_406 = arith.subi %sign3A_402, %sign3A_405 : i32
        %sign3A_407 = arith.constant 0 : i32
        %sign3A_408 = arith.cmpi sgt, %jit3A_398, %sign3A_407 : i32
        %sign3A_409 = arith.extui %sign3A_408 : i1 to i32
        %sign3A_410 = arith.constant 0 : i32
        %sign3A_411 = arith.cmpi slt, %jit3A_398, %sign3A_410 : i32
        %sign3A_412 = arith.extui %sign3A_411 : i1 to i32
        %sign3A_413 = arith.subi %sign3A_409, %sign3A_412 : i32
        %ne3A_414 = arith.cmpi ne, %sign3A_406, %sign3A_413 : i32
        %rem3A_415 = arith.remsi %scan3A_393, %jit3A_398 : i32
        %ne3A_416 = arith.constant 0 : i32
        %ne3A_417 = arith.cmpi ne, %rem3A_415, %ne3A_416 : i32
        %and3A_418 = arith.andi %ne3A_414, %ne3A_417 : i1
        %sub3A_419 = arith.constant 1 : i32
        %sub3A_420 = arith.subi %div3A_399, %sub3A_419 : i32
        %select_n3A_421 = arith.select %and3A_418, %sub3A_420, %div3A_399 : i32
        %jit3A_422 = arith.constant 8 : i32
        %eq3A_423 = arith.constant 0 : i32
        %eq3A_424 = arith.cmpi eq, %jit3A_422, %eq3A_423 : i32
        %jit3A_425 = arith.constant 1 : i32
        %select_n3A_426 = arith.select %eq3A_424, %jit3A_425, %jit3A_422 : i32
        %rem3A_427 = arith.remsi %scan3A_393, %select_n3A_426 : i32
        %ne3A_428 = arith.constant 0 : i32
        %ne3A_429 = arith.cmpi ne, %rem3A_427, %ne3A_428 : i32
        %lt3A = arith.constant 0 : i32
        %lt3A_430 = arith.cmpi slt, %rem3A_427, %lt3A : i32
        %lt3A_431 = arith.constant 0 : i32
        %lt3A_432 = arith.cmpi slt, %select_n3A_426, %lt3A_431 : i32
        %ne3A_433 = arith.xori %lt3A_430, %lt3A_432 : i1
        %and3A_434 = arith.andi %ne3A_433, %ne3A_429 : i1
        %add3A_435 = arith.addi %rem3A_427, %select_n3A_426 : i32
        %select_n3A_436 = arith.select %and3A_434, %add3A_435, %rem3A_427 : i32
        %mul3A_437 = arith.constant 16 : i32
        %mul3A_438 = arith.muli %select_n3A_436, %mul3A_437 : i32
        %get3A = arith.index_cast %select_n3A_421 : i32 to index
        %get3A_439 = arith.index_cast %mul3A_438 : i32 to index
        %get3A_440 = tpu.vector_load %arg9[%get3A, %get3A_439] {strides = array<i32>} : memref<32x128xi32, #tpu.memory_space<vmem>>, vector<16xi32>,
        %add3A_441 = vector.broadcast %sub3A_56 : i32 to vector<16xi32>
        %add3A_442 = arith.addi %get3A_440, %add3A_441 : vector<16xi32>
        %min3A_443 = arith.constant 100351 : i32
        %min3A_444 = vector.broadcast %min3A_443 : i32 to vector<16xi32>
        %min3A_445 = arith.minsi %add3A_442, %min3A_444 : vector<16xi32>
        %gather3A = tpu.vector_load_idx %arg8[%min3A_445] : memref<100352xf32, #tpu.memory_space<vmem>>[vector<16xi32>], vector<16xf32>,
        %sub3A_446 = vector.broadcast %sub3A_60 : i32 to vector<16xi32>
        %sub3A_447 = arith.subi %get3A_440, %sub3A_446 : vector<16xi32>
        %max3A = arith.constant 0 : i32
        %max3A_448 = vector.broadcast %max3A : i32 to vector<16xi32>
        %max3A_449 = arith.maxsi %sub3A_447, %max3A_448 : vector<16xi32>
        %broadcast_in_dim3A = vector.broadcast %add3A_233 : i32 to vector<16xi32>
        %gather3A_450 = tpu.vector_load_idx %arg11[%broadcast_in_dim3A, %max3A_449] : memref<32x128xf32, #tpu.memory_space<vmem>>[vector<16xi32>, vector<16xi32>], vector<16xf32>,
        %ge3A = vector.broadcast %sub3A_60 : i32 to vector<16xi32>
        %ge3A_451 = arith.cmpi sge, %get3A_440, %ge3A : vector<16xi32>
        %select_n3A_452 = arith.select %ge3A_451, %gather3A_450, %gather3A : vector<16xi1>, vector<16xf32>
        %swap3A = arith.index_cast %add3A_397 : i32 to index
        %swap3A_453 = tpu.vector_load %arg10[%swap3A] {strides = array<i32>} : memref<8192xf32, #tpu.memory_space<vmem>>, vector<16xf32>,
        tpu.vector_store %arg10[%swap3A], %select_n3A_452 {strides = array<i32>} : memref<8192xf32, #tpu.memory_space<vmem>>, vector<16xf32>,
      }
      %scan3A_320 = arith.constant 256 : i32
      %jit3A_321 = arith.constant 8 : i32
      %div3A_322 = arith.divsi %arg1, %jit3A_321 : i32
      %sign3A_323 = arith.constant 0 : i32
      %sign3A_324 = arith.cmpi sgt, %arg1, %sign3A_323 : i32
      %sign3A_325 = arith.extui %sign3A_324 : i1 to i32
      %sign3A_326 = arith.constant 0 : i32
      %sign3A_327 = arith.cmpi slt, %arg1, %sign3A_326 : i32
      %sign3A_328 = arith.extui %sign3A_327 : i1 to i32
      %sign3A_329 = arith.subi %sign3A_325, %sign3A_328 : i32
      %sign3A_330 = arith.constant 0 : i32
      %sign3A_331 = arith.cmpi sgt, %jit3A_321, %sign3A_330 : i32
      %sign3A_332 = arith.extui %sign3A_331 : i1 to i32
      %sign3A_333 = arith.constant 0 : i32
      %sign3A_334 = arith.cmpi slt, %jit3A_321, %sign3A_333 : i32
      %sign3A_335 = arith.extui %sign3A_334 : i1 to i32
      %sign3A_336 = arith.subi %sign3A_332, %sign3A_335 : i32
      %ne3A_337 = arith.cmpi ne, %sign3A_329, %sign3A_336 : i32
      %rem3A_338 = arith.remsi %arg1, %jit3A_321 : i32
      %ne3A_339 = arith.constant 0 : i32
      %ne3A_340 = arith.cmpi ne, %rem3A_338, %ne3A_339 : i32
      %and3A_341 = arith.andi %ne3A_337, %ne3A_340 : i1
      %sub3A_342 = arith.constant 1 : i32
      %sub3A_343 = arith.subi %div3A_322, %sub3A_342 : i32
      %select_n3A_344 = arith.select %and3A_341, %sub3A_343, %div3A_322 : i32
      %eq3A_345 = arith.constant 0 : i32
      %eq3A_346 = arith.cmpi eq, %select_n3A_344, %eq3A_345 : i32
      %convert_element_type3A_347 = arith.extui %eq3A_346 : i1 to i32
      %cond3A_348 = arith.constant 0 : i32
      %cond3A_349 = arith.cmpi ne, %convert_element_type3A_347, %cond3A_348 : i32
      scf.if %cond3A_349 {
        "tpu.region"() ({
          %run_scoped3A = tpu.sem_alloc : memref<!tpu.dma_semaphore, #tpu.memory_space<semaphore_mem>>
          %dma_start3A = arith.constant 0 : i32
          %dma_start3A_393 = tpu.memref_slice %arg7[%rem3A_0, %dma_start3A] : memref<8x8192xf32, #tpu.memory_space<vmem_shared>> -> memref<1x8192xf32, #tpu.memory_space<vmem_shared>>
          %dma_start3A_394 = tpu.memref_squeeze %dma_start3A_393 : memref<1x8192xf32, #tpu.memory_space<vmem_shared>> -> memref<8192xf32, #tpu.memory_space<vmem_shared>>
          %dma_start3A_395 = arith.constant 0 : i32
          %dma_start3A_396 = tpu.memref_slice %arg7[%rem3A_0, %dma_start3A_395] : memref<8x8192xf32, #tpu.memory_space<vmem_shared>> -> memref<1x8192xf32, #tpu.memory_space<vmem_shared>>
          %dma_start3A_397 = tpu.memref_squeeze %dma_start3A_396 : memref<1x8192xf32, #tpu.memory_space<vmem_shared>> -> memref<8192xf32, #tpu.memory_space<vmem_shared>>
          tpu.enqueue_dma source(%arg10 : memref<8192xf32, #tpu.memory_space<vmem>>) target(%dma_start3A_397 : memref<8192xf32, #tpu.memory_space<vmem_shared>>) target_semaphore(%run_scoped3A : memref<!tpu.dma_semaphore, #tpu.memory_space<semaphore_mem>>)
          %dma_wait3A = arith.constant 0 : i32
          %dma_wait3A_398 = tpu.memref_slice %arg7[%rem3A_0, %dma_wait3A] : memref<8x8192xf32, #tpu.memory_space<vmem_shared>> -> memref<1x8192xf32, #tpu.memory_space<vmem_shared>>
          %dma_wait3A_399 = tpu.memref_squeeze %dma_wait3A_398 : memref<1x8192xf32, #tpu.memory_space<vmem_shared>> -> memref<8192xf32, #tpu.memory_space<vmem_shared>>
          %dma_wait3A_400 = arith.constant 0 : i32
          %dma_wait3A_401 = tpu.memref_slice %arg7[%rem3A_0, %dma_wait3A_400] : memref<8x8192xf32, #tpu.memory_space<vmem_shared>> -> memref<1x8192xf32, #tpu.memory_space<vmem_shared>>
          %dma_wait3A_402 = tpu.memref_squeeze %dma_wait3A_401 : memref<1x8192xf32, #tpu.memory_space<vmem_shared>> -> memref<8192xf32, #tpu.memory_space<vmem_shared>>
          tpu.wait_dma2 semaphore(%run_scoped3A : memref<!tpu.dma_semaphore, #tpu.memory_space<semaphore_mem>>) src(%arg10 : memref<8192xf32, #tpu.memory_space<vmem>>) dst(%dma_wait3A_402 : memref<8192xf32, #tpu.memory_space<vmem_shared>>)
          tpu.yield
        }) : () -> ()
      } else {
      }
      %barrier3A_350 = arith.constant 0 : index
      tpu.barrier barrier_id(%barrier3A_350)
      %eq3A_351 = arith.constant 0 : i32
      %eq3A_352 = arith.cmpi eq, %arg1, %eq3A_351 : i32
      %convert_element_type3A_353 = arith.extui %eq3A_352 : i1 to i32
      %cond3A_354 = arith.constant 0 : i32
      %cond3A_355 = arith.cmpi ne, %convert_element_type3A_353, %cond3A_354 : i32
      scf.if %cond3A_355 {
        "tpu.region"() ({
          %run_scoped3A = tpu.sem_alloc : memref<!tpu.dma_semaphore, #tpu.memory_space<semaphore_mem>>
          %dma_start3A = arith.constant 0 : i32
          %dma_start3A_393 = tpu.memref_slice %arg5[%scan3A_24, %multiple_of3A_228, %dma_start3A] : memref<26x32x16384xf32, #tpu.memory_space<hbm>> -> memref<1x8x8192xf32, #tpu.memory_space<hbm>>
          %dma_start3A_394 = tpu.memref_squeeze %dma_start3A_393 : memref<1x8x8192xf32, #tpu.memory_space<hbm>> -> memref<8x8192xf32, #tpu.memory_space<hbm>>
          tpu.enqueue_dma source(%arg7 : memref<8x8192xf32, #tpu.memory_space<vmem_shared>>) target(%dma_start3A_394 : memref<8x8192xf32, #tpu.memory_space<hbm>>) target_semaphore(%run_scoped3A : memref<!tpu.dma_semaphore, #tpu.memory_space<semaphore_mem>>)
          %dma_wait3A = arith.constant 0 : i32
          %dma_wait3A_395 = tpu.memref_slice %arg5[%scan3A_24, %multiple_of3A_228, %dma_wait3A] : memref<26x32x16384xf32, #tpu.memory_space<hbm>> -> memref<1x8x8192xf32, #tpu.memory_space<hbm>>
          %dma_wait3A_396 = tpu.memref_squeeze %dma_wait3A_395 : memref<1x8x8192xf32, #tpu.memory_space<hbm>> -> memref<8x8192xf32, #tpu.memory_space<hbm>>
          tpu.wait_dma2 semaphore(%run_scoped3A : memref<!tpu.dma_semaphore, #tpu.memory_space<semaphore_mem>>) src(%arg7 : memref<8x8192xf32, #tpu.memory_space<vmem_shared>>) dst(%dma_wait3A_396 : memref<8x8192xf32, #tpu.memory_space<hbm>>)
          tpu.yield
        }) : () -> ()
      } else {
      }
      %barrier3A_356 = arith.constant 0 : index
      tpu.barrier barrier_id(%barrier3A_356)
      %jit3A_357 = arith.constant 8 : i32
      %div3A_358 = arith.divsi %arg1, %jit3A_357 : i32
      %sign3A_359 = arith.constant 0 : i32
      %sign3A_360 = arith.cmpi sgt, %arg1, %sign3A_359 : i32
      %sign3A_361 = arith.extui %sign3A_360 : i1 to i32
      %sign3A_362 = arith.constant 0 : i32
      %sign3A_363 = arith.cmpi slt, %arg1, %sign3A_362 : i32
      %sign3A_364 = arith.extui %sign3A_363 : i1 to i32
      %sign3A_365 = arith.subi %sign3A_361, %sign3A_364 : i32
      %sign3A_366 = arith.constant 0 : i32
      %sign3A_367 = arith.cmpi sgt, %jit3A_357, %sign3A_366 : i32
      %sign3A_368 = arith.extui %sign3A_367 : i1 to i32
      %sign3A_369 = arith.constant 0 : i32
      %sign3A_370 = arith.cmpi slt, %jit3A_357, %sign3A_369 : i32
      %sign3A_371 = arith.extui %sign3A_370 : i1 to i32
      %sign3A_372 = arith.subi %sign3A_368, %sign3A_371 : i32
      %ne3A_373 = arith.cmpi ne, %sign3A_365, %sign3A_372 : i32
      %rem3A_374 = arith.remsi %arg1, %jit3A_357 : i32
      %ne3A_375 = arith.constant 0 : i32
      %ne3A_376 = arith.cmpi ne, %rem3A_374, %ne3A_375 : i32
      %and3A_377 = arith.andi %ne3A_373, %ne3A_376 : i1
      %sub3A_378 = arith.constant 1 : i32
      %sub3A_379 = arith.subi %div3A_358, %sub3A_378 : i32
      %select_n3A_380 = arith.select %and3A_377, %sub3A_379, %div3A_358 : i32
      %eq3A_381 = arith.constant 1 : i32
      %eq3A_382 = arith.cmpi eq, %select_n3A_380, %eq3A_381 : i32
      %convert_element_type3A_383 = arith.extui %eq3A_382 : i1 to i32
      %cond3A_384 = arith.constant 0 : i32
      %cond3A_385 = arith.cmpi ne, %convert_element_type3A_383, %cond3A_384 : i32
      scf.if %cond3A_385 {
        "tpu.region"() ({
          %run_scoped3A = tpu.sem_alloc : memref<!tpu.dma_semaphore, #tpu.memory_space<semaphore_mem>>
          %dma_start3A = arith.constant 0 : i32
          %dma_start3A_393 = tpu.memref_slice %arg7[%rem3A_0, %dma_start3A] : memref<8x8192xf32, #tpu.memory_space<vmem_shared>> -> memref<1x8192xf32, #tpu.memory_space<vmem_shared>>
          %dma_start3A_394 = tpu.memref_squeeze %dma_start3A_393 : memref<1x8192xf32, #tpu.memory_space<vmem_shared>> -> memref<8192xf32, #tpu.memory_space<vmem_shared>>
          %dma_start3A_395 = arith.constant 0 : i32
          %dma_start3A_396 = tpu.memref_slice %arg7[%rem3A_0, %dma_start3A_395] : memref<8x8192xf32, #tpu.memory_space<vmem_shared>> -> memref<1x8192xf32, #tpu.memory_space<vmem_shared>>
          %dma_start3A_397 = tpu.memref_squeeze %dma_start3A_396 : memref<1x8192xf32, #tpu.memory_space<vmem_shared>> -> memref<8192xf32, #tpu.memory_space<vmem_shared>>
          tpu.enqueue_dma source(%arg10 : memref<8192xf32, #tpu.memory_space<vmem>>) target(%dma_start3A_397 : memref<8192xf32, #tpu.memory_space<vmem_shared>>) target_semaphore(%run_scoped3A : memref<!tpu.dma_semaphore, #tpu.memory_space<semaphore_mem>>)
          %dma_wait3A = arith.constant 0 : i32
          %dma_wait3A_398 = tpu.memref_slice %arg7[%rem3A_0, %dma_wait3A] : memref<8x8192xf32, #tpu.memory_space<vmem_shared>> -> memref<1x8192xf32, #tpu.memory_space<vmem_shared>>
          %dma_wait3A_399 = tpu.memref_squeeze %dma_wait3A_398 : memref<1x8192xf32, #tpu.memory_space<vmem_shared>> -> memref<8192xf32, #tpu.memory_space<vmem_shared>>
          %dma_wait3A_400 = arith.constant 0 : i32
          %dma_wait3A_401 = tpu.memref_slice %arg7[%rem3A_0, %dma_wait3A_400] : memref<8x8192xf32, #tpu.memory_space<vmem_shared>> -> memref<1x8192xf32, #tpu.memory_space<vmem_shared>>
          %dma_wait3A_402 = tpu.memref_squeeze %dma_wait3A_401 : memref<1x8192xf32, #tpu.memory_space<vmem_shared>> -> memref<8192xf32, #tpu.memory_space<vmem_shared>>
          tpu.wait_dma2 semaphore(%run_scoped3A : memref<!tpu.dma_semaphore, #tpu.memory_space<semaphore_mem>>) src(%arg10 : memref<8192xf32, #tpu.memory_space<vmem>>) dst(%dma_wait3A_402 : memref<8192xf32, #tpu.memory_space<vmem_shared>>)
          tpu.yield
        }) : () -> ()
      } else {
      }
      %barrier3A_386 = arith.constant 0 : index
      tpu.barrier barrier_id(%barrier3A_386)
      %eq3A_387 = arith.constant 0 : i32
      %eq3A_388 = arith.cmpi eq, %arg1, %eq3A_387 : i32
      %convert_element_type3A_389 = arith.extui %eq3A_388 : i1 to i32
      %cond3A_390 = arith.constant 0 : i32
      %cond3A_391 = arith.cmpi ne, %convert_element_type3A_389, %cond3A_390 : i32
      scf.if %cond3A_391 {
        "tpu.region"() ({
          %run_scoped3A = tpu.sem_alloc : memref<!tpu.dma_semaphore, #tpu.memory_space<semaphore_mem>>
          %dma_start3A = arith.constant 8192 : i32
          %dma_start3A_393 = tpu.memref_slice %arg5[%scan3A_24, %multiple_of3A_228, %dma_start3A] : memref<26x32x16384xf32, #tpu.memory_space<hbm>> -> memref<1x8x8192xf32, #tpu.memory_space<hbm>>
          %dma_start3A_394 = tpu.memref_squeeze %dma_start3A_393 : memref<1x8x8192xf32, #tpu.memory_space<hbm>> -> memref<8x8192xf32, #tpu.memory_space<hbm>>
          tpu.enqueue_dma source(%arg7 : memref<8x8192xf32, #tpu.memory_space<vmem_shared>>) target(%dma_start3A_394 : memref<8x8192xf32, #tpu.memory_space<hbm>>) target_semaphore(%run_scoped3A : memref<!tpu.dma_semaphore, #tpu.memory_space<semaphore_mem>>)
          %dma_wait3A = arith.constant 8192 : i32
          %dma_wait3A_395 = tpu.memref_slice %arg5[%scan3A_24, %multiple_of3A_228, %dma_wait3A] : memref<26x32x16384xf32, #tpu.memory_space<hbm>> -> memref<1x8x8192xf32, #tpu.memory_space<hbm>>
          %dma_wait3A_396 = tpu.memref_squeeze %dma_wait3A_395 : memref<1x8x8192xf32, #tpu.memory_space<hbm>> -> memref<8x8192xf32, #tpu.memory_space<hbm>>
          tpu.wait_dma2 semaphore(%run_scoped3A : memref<!tpu.dma_semaphore, #tpu.memory_space<semaphore_mem>>) src(%arg7 : memref<8x8192xf32, #tpu.memory_space<vmem_shared>>) dst(%dma_wait3A_396 : memref<8x8192xf32, #tpu.memory_space<hbm>>)
          tpu.yield
        }) : () -> ()
      } else {
      }
      %barrier3A_392 = arith.constant 0 : index
      tpu.barrier barrier_id(%barrier3A_392)
    }
    %scan3A_23 = arith.constant 26 : i32
    return
  }
}

</mosaic_0001>

<sc_bundles>
// kernel: kernel.3.cloned.1.call-start
scs
__scs_entry_jumppad:
0x0: {  	(pc) =	sbr.rel $0x88, $3  }
0x1: {  	(tag) =	ssettag $0x0;
	lr =	simm.s32 $0x1  }
0x2: {  	[smem:$0x3F9F] =	sst lr;
	_ =	strace $0xD0000000  }
0x3: {  	_ = 	snop  }
0x4: {  	_ = 	snop  }
0x5: {  	_ = 	snop  }
0x6: {  	_ = 	snop  }
0x7: {  	_ = 	snop  }
__scs_overlays_trampoline_lowered:
0x8: {  	[smem:$0x3FAE] =	sst s0  }
0x9: {  	[smem:$0x3FAF] =	sst s1  }
0xa: {  	[smem:$0x3FB0] =	sst s2  }
0xb: {  	[smem:$0x3FB1] =	sst s3  }
0xc: {  	[smem:$0x3FB2] =	sst s4  }
0xd: {  	[smem:$0x3FB3] =	sst s5  }
0xe: {  	[smem:$0x3FB4] =	sst s6  }
0xf: {  	[smem:$0x3FB5] =	sst s7  }
0x10: {  	[smem:$0x3FB6] =	sst s8  }
0x11: {  	[smem:$0x3FB7] =	sst s9;
	s0 =	simm.s32 @!p0 $0x0  }
0x12: {  	s1 =	sld [smem:$0x3F9D];
	s0 =	simm.s32 @p0 $0x1  }
0x13: {  	[smem:$0x3FB8] =	sst s0;
	s0 =	simm.s32 @!p1 $0x0  }
0x14: {  	s2 =	sld [smem:$0x3F9C];
	s0 =	simm.s32 @p1 $0x1  }
0x15: {  	[smem:$0x3FB9] =	sst s0;
	s0 =	simm.s32 @!p2 $0x0  }
0x16: {  	s3 =	sld [smem:$0x3FDB];
	s0 =	simm.s32 @p2 $0x1  }
0x17: {  	s4 =	simm.s32 $0x1BF5;
	[smem:$0x3FBB] =	sst s0  }
0x18: {  	s0 =	sld [smem:$0x3F9E];
	_ =	swait.ge [sflag:s4], $0x0  }
0x19: {  	s7 =	sld [smem:$0x3F9F]  }
0x1a: {  	s8 =	sadd.s32 $0xFFFFE003, lr  }
0x1b: {  	s9 =	sadd.s32 $0xFFFFFEF7, lr;
	s5 =	simm.s32 $0xFFFFFFFF;
	p2 =	slt.u32 s8, $0xFFFFF086  }
0x1c: {  	p1 =	slt.u32 s9, $0xF7A;
	s5 =	simm.s32 @!p2 $0x0  }
0x1d: {  	s5 =	simm.s32 @p1 $0x1;
	p0 =	seq.s32 s7, s2  }
0x1e: {  	s7 =	smul.u32 @!p0 $0xF7A, s2;
	p2 =	seq.s32 @!p0 s5, $0x0  }
0x1f: {  	s9 =	smul.u32 $0xF7A, s1;
	s8 =	simm.s32 @!p0 $0x1BF5;
	p2 =	por !p2, p0  }
0x20: {  	[sflag:s8] =	ssyncset.s32 @!p0 $0xFFFFF086;
	s6 =	sadd.s32 @!p0 s3, s7;
	s7 =	simm.s32 @!p0 $0x108  }
0x21: {  	s3 =	sadd.s32 s3, s9;
	s6 =	sadd.s32 @!p0 $0x88, s6;
	s7 =	simm.s32 @p2 $0x1082  }
0x22: {  	[simem:s7], [sflag:s8] =	dma.local @!p0 [hbm:s6], $0xF7A  }
0x23: {  	s9 =	sor.u32 $0xD0000000, s2;
	s6 =	simm.s32 $0x108;
	_ =	swait.ge @!p0 [sflag:s8], $0x0  }
0x24: {  	s3 =	sadd.s32 $0x88, s3;
	s6 =	simm.s32 @!p1 $0x1082;
	[sflag:s4] =	ssyncset.s32 $0xFFFFF086  }
0x25: {  	[simem:s6], [sflag:s4] =	dma.local [hbm:s3], $0xF7A  }
0x26: {  	[smem:$0x3F9F] =	sst s1;
	(tag) =	ssettag s2;
	_ =	strace s9  }
0x27: {  	s1 =	sld [smem:$0x3FAF]  }
0x28: {  	s2 =	sld [smem:$0x3FB0]  }
0x29: {  	s4 =	sld [smem:$0x3FB2]  }
0x2a: {  	p0 =	seq.s32 s5, $0x0;
	s5 =	sld [smem:$0x3FB3]  }
0x2b: {  	s6 =	sld [smem:$0x3FB4]  }
0x2c: {  	s7 =	sld [smem:$0x3FB5]  }
0x2d: {  	s3 =	simm.s32 $0x108;
	s8 =	sld [smem:$0x3FB6]  }
0x2e: {  	s3 =	simm.s32 @!p0 $0x1082;
	s9 =	sld [smem:$0x3FB7]  }
0x2f: {  	lr =	sadd.s32 s0, s3;
	s0 =	sld [smem:$0x3FAE]  }
0x30: {  	s3 =	sld [smem:$0x3FB1]  }
0x31: {  	[smem:$0x3FBA] =	sst s10  }
0x32: {  	s10 =	sld [smem:$0x3FB8];
	_ =	sdelay $0x3  }
0x33: {  	p0 =	seq.s32 s10, $0x1;
	s10 =	sld [smem:$0x3FBA];
	_ =	sdelay $0x3  }
0x34: {  	[smem:$0x3FBA] =	sst s10  }
0x35: {  	s10 =	sld [smem:$0x3FB9];
	_ =	sdelay $0x3  }
0x36: {  	p1 =	seq.s32 s10, $0x1;
	s10 =	sld [smem:$0x3FBA];
	_ =	sdelay $0x3  }
0x37: {  	[smem:$0x3FBA] =	sst s10  }
0x38: {  	s10 =	sld [smem:$0x3FBB]  }
0x39: {  	_ = 	snop;
	(pc) =	sbr.ind lr, $3  }
0x3a: {  	_ = 	snop  }
0x3b: {  	_ = 	snop  }
0x3c: {  	p2 =	seq.s32 s10, $0x1;
	s10 =	sld [smem:$0x3FBA]  }
0x3d: {  	_ =	shalt  }
0x3e: {  	_ =	shalt  }
0x3f: {  	_ =	shalt  }
0x40: {  	_ =	shalt  }
0x41: {  	_ =	shalt  }
0x42: {  	_ =	shalt  }
0x43: {  	_ =	shalt  }
0x44: {  	_ =	shalt  }
0x45: {  	_ =	shalt  }
0x46: {  	_ =	shalt  }
0x47: {  	_ =	shalt  }
0x48: {  	_ =	shalt  }
0x49: {  	_ =	shalt  }
0x4a: {  	_ =	shalt  }
0x4b: {  	_ =	shalt  }
0x4c: {  	_ =	shalt  }
0x4d: {  	_ =	shalt  }
0x4e: {  	_ =	shalt  }
0x4f: {  	_ =	shalt  }
0x50: {  	_ =	shalt  }
0x51: {  	_ =	shalt  }
0x52: {  	_ =	shalt  }
0x53: {  	_ =	shalt  }
0x54: {  	_ =	shalt  }
0x55: {  	_ =	shalt  }
0x56: {  	_ =	shalt  }
0x57: {  	_ =	shalt  }
0x58: {  	_ =	shalt  }
0x59: {  	_ =	shalt  }
0x5a: {  	_ =	shalt  }
0x5b: {  	_ =	shalt  }
0x5c: {  	_ =	shalt  }
0x5d: {  	_ =	shalt  }
0x5e: {  	_ =	shalt  }
0x5f: {  	_ =	shalt  }
0x60: {  	_ =	shalt  }
0x61: {  	_ =	shalt  }
0x62: {  	_ =	shalt  }
0x63: {  	_ =	shalt  }
0x64: {  	_ =	shalt  }
0x65: {  	_ =	shalt  }
0x66: {  	_ =	shalt  }
0x67: {  	_ =	shalt  }
0x68: {  	_ =	shalt  }
0x69: {  	_ =	shalt  }
0x6a: {  	_ =	shalt  }
0x6b: {  	_ =	shalt  }
0x6c: {  	_ =	shalt  }
0x6d: {  	_ =	shalt  }
0x6e: {  	_ =	shalt  }
0x6f: {  	_ =	shalt  }
0x70: {  	_ =	shalt  }
0x71: {  	_ =	shalt  }
0x72: {  	_ =	shalt  }
0x73: {  	_ =	shalt  }
0x74: {  	_ =	shalt  }
0x75: {  	_ =	shalt  }
0x76: {  	_ =	shalt  }
0x77: {  	_ =	shalt  }
0x78: {  	_ =	shalt  }
0x79: {  	_ =	shalt  }
0x7a: {  	_ =	shalt  }
0x7b: {  	_ =	shalt  }
0x7c: {  	_ =	shalt  }
0x7d: {  	_ =	shalt  }
0x7e: {  	_ =	shalt  }
0x7f: {  	_ =	shalt  }
0x80: {  	_ =	shalt  }
0x81: {  	_ =	shalt  }
0x82: {  	_ =	shalt  }
0x83: {  	_ =	shalt  }
0x84: {  	_ =	shalt  }
0x85: {  	_ =	shalt  }
0x86: {  	_ =	shalt  }
0x87: {  	_ =	shalt  }
.Lfunc_end0:
.L_simem_size_0:
called_computation_lowered:
.L_overlay_start_0:
0x88: {  	s2 =	sld [smem:$0x3FD9]  }
0x89: {  	s3 =	sld [smem:$0x3FFE];
	_ =	sdelay $0x1  }
0x8a: {  	s1 =	srdreg.scid  }
0x8b: {  	s0 =	sand.u32 $0x1, s1  }
0x8c: {  	s17 =	sshll.u32 s0, $0xA;
	s2 =	sadd.s32 s3, s2  }
0x8d: {  	s2 =	sadd.s32 s2, s17  }
0x8e: {  	[smem:$0x3FC6] =	sst s2  }
0x8f: {  	_ = 	snop  }
0x90: {  	s2 =	sld [smem:$0x3FC8]  }
0x91: {  	s18 =	sld [smem:$0x3FD0];
	(tm) =	ssettm $0x1  }
0x92: {  	s4 =	sld [smem:$0x3FFB];
	_ =	sdelay $0x3  }
0x93: {  	_ =	strace s4  }
0x94: {  	s4 =	sld [smem:$0x3FFC];
	_ =	sdelay $0x3  }
0x95: {  	_ =	strace s4  }
0x96: {  	s4 =	sld [smem:$0x3FFD];
	_ =	sdelay $0x3  }
0x97: {  	_ =	strace s4  }
0x98: {  	_ =	strace $0x8FFFFFFF  }
0x99: {  	s19 =	sld [smem:$0x3FDB];
	_ =	sdelay $0x1  }
0x9a: {  	s5 =	simm.s32 $_scs_section_size  }
0x9b: {  	s6 =	simm.s32 $_size__tile_overlayer_lowered;
	s7 =	simm.s32 $_tile_overlayer_lowered  }
0x9c: {  	s22 =	simm.s32 $0x1BFF;
	s21 =	sshll.u32 s7, $0x1;
	s4 =	sadd.s32 s5, s19  }
0x9d: {  	s8 =	simm.s32 $0x0;
	s20 =	sshll.u32 s6, $0x1;
	s6 =	sadd.s32 s21, s4  }
0x9e: {  	[timem:s8], [sflag:s22] =	dma.local [hbm:s6], s20  }
0x9f: {  	_ =	swait.ge [sflag:s22], s20  }
0xa0: {  	s5 =	ssub.s32 $0x0, s20;
	[sflag:s22] =	ssyncset.done $0x0  }
0xa1: {  	[sflag:s22] =	ssyncadd.s32 s5;
	_ =	sdelay $0x1  }
0xa2: {  	s23 =	simm.s32 $0x1B8B  }
0xa3: {  	_ =	swait.ge [sflag:s23], $0x1  }
0xa4: {  	[sflag:s23] =	ssyncset.done $0x0  }
0xa5: {  	s25 =	simm.s32 $0x1B8E;
	s24 =	sld [smem:$0x3FFE];
	[sflag:s23] =	ssyncadd.s32 $0xFFFFFFFF  }
0xa6: {  	s26 =	simm.s32 $execute0_lowered;
	[smem:$0x3FD2] =	sst s25  }
0xa7: {  	s6 =	sshll.u32 s26, $0x1;
	_ =	strace $0x80000046;
	[dreg:$0x1] =	wrdreg $0xFFFFFFFF  }
0xa8: {  	s28 =	simm.s32 $_size_execute0_lowered;
	s4 =	sadd.s32 s4, s6;
	[dreg:$0x0] =	wrdreg $0x0  }
0xa9: {  	s6 =	sshll.u32 s28, $0x1;
	[dreg:$0x2] =	wrdreg s4  }
0xaa: {  	[dreg:$0x3] =	wrdreg s6  }
0xab: {  	[dreg:$0x4] =	wrdreg $0xC0  }
0xac: {  	_ =	task [dreg:s8], $0x5FFFF  }
0xad: {  	[dreg:$0x1] =	wrdreg $0xFFFFFFFF  }
0xae: {  	[dreg:$0x0] =	wrdreg $0x60  }
0xaf: {  	[dreg:$0x2] =	wrdreg s24  }
0xb0: {  	[dreg:$0x3] =	wrdreg s2  }
0xb1: {  	[dreg:$0x4] =	wrdreg s18  }
0xb2: {  	[dreg:$0x5] =	wrdreg $0x0  }
0xb3: {  	[dreg:$0x6] =	wrdreg $0x20000  }
0xb4: {  	[dreg:$0x7] =	wrdreg $0x9  }
0xb5: {  	_ =	task.clear_ibuf [dreg:s8], $0x8FFFF;
	_ =	strace $0x90000046  }
0xb6: {  	s29 =	simm.s32 $0x9;
	_ =	strace $0x80000048  }
0xb7: {  	_ =	swait.ge [sflag:s29], $0x1  }
0xb8: {  	[sflag:s29] =	ssyncadd.s32 $0xFFFFFFFF  }
0xb9: {  	_ =	strace $0x90000048  }
0xba: {  	_ =	sfence  }
0xbb: {  	s30 =	sld [smem:$0x0];
	_ =	sdelay $0x2  }
0xbc: {  	s31 =	sshll.u32 s1, $0xD;
	s1 =	sshrl.u32 s1, $0x2  }
0xbd: {  	s3 =	sand.u32 $0x4000, s31;
	s1 =	sadd.s32 s1, s30  }
0xbe: {  	s0 =	sor.u32 s3, s0;
	s1 =	sshll.u32 s1, $0x11  }
0xbf: {  	s0 =	sor.u32 s1, s0  }
0xc0: {  	s0 =	sadd.s32 $0x8F2B, s0  }
0xc1: {  	[sflag:s0] =	ssyncadd.remote.s32 $0x1  }
0xc2: {  	_ =	sfence.sel $0xFFFF  }
0xc3: {  	[dreg:$0x0] =	wrdreg $0xFFFFFFFF;
	(pc) =	sbr.abs _section_cstart, $3  }
0xc4: {  	[dreg:$0x1] =	wrdreg $0xFFFFFFFF  }
0xc5: {  	_ =	task.clear_ibuf [dreg:s8], $0x2FFFF;
	_ =	strace $0x9FFFFFFF  }
0xc6: {  	(tm) =	ssettm $0x7FFFFFFF  }
0xc7: {  	_ =	shalt  }
tec
execute0_lowered:
.L_overlay_start_1:
0x0: {  	(tag) =	ssettag $0x1  }
0x1: {  	s0 =	rddreg [dreg:$0x0]  }
0x2: {  	s14 =	rddreg [dreg:$0x1]  }
0x3: {  	s1 =	rddreg [dreg:$0x2]  }
0x4: {  	s2 =	rddreg [dreg:$0x3]  }
0x5: {  	s12 =	rddreg [dreg:$0x4]  }
0x6: {  	s4 =	simm.s32 $0x0;
	s3 =	srdreg.scid;
	s13 =	stileid.u32  }
0x7: {  	s29 =	simm.s32 $0x1E800;
	s30 =	simm.s32 $0x1;
	s31 =	simm.s32 $0x80  }
0x8: {  	[smem:$0x7FF] =	sst s4;
	s3 =	sand.u32 $0x1, s3;
	s5 =	sadd.s32 $0x400, s0  }
0x9: {  	s21 =	sadd.s32 $0xD400, s0;
	s23 =	sand.u32 $0x7, s13;
	s6 =	sshrl.u32 s13, $0x3  }
0xa: {  	s15 =	sshll.u32 s13, $0xA;
	s25 =	sshll.u32 s13, $0xD;
	s26 =	sshll.u32 s13, $0x7  }
0xb: {  	s28 =	sadd.s32 $0x2000, s1;
	_ =	strace $0x80000047;
	[dreg:$0x6] =	wrdreg s5  }
0xc: {  	s0 =	sadd.s32 $0x600, s0;
	p2 =	seq.s32 s13, $0x0;
	[dreg:$0x7] =	wrdreg s21  }
0xd: {  	s20 =	ssub.s32 $0x2, s3;
	s9 =	smul.u32 $0x27AC800, s3;
	[dreg:$0x13] =	wrdreg s0  }
0xe: {  	s7 =	sshll.u32 s3, $0x4;
	s8 =	sshll.u32 s6, $0xA;
	[dreg:$0xa] =	wrdreg s15  }
0xf: {  	s11 =	sor.u32 $0x4000, s15;
	s3 =	sshll.u32 s3, $0xF;
	[dreg:$0x9] =	wrdreg s8  }
0x10: {  	s19 =	sadd.s32 s15, s2;
	p0 =	sne.s32 s6, $0x0;
	[dreg:$0xb] =	wrdreg s11  }
0x11: {  	p1 =	seq.s32 s6, $0x0;
	s0 =	simm.s32 $0x400;
	[dreg:$0x12] =	wrdreg s19  }
0x12: {  	s22 =	sshrl.u32 s20, $0x1;
	s16 =	sadd.s32 s1, s3;
	[dreg:$0x8] =	wrdreg s9  }
0x13: {  	s24 =	sor.u32 s23, s7;
	s3 =	sadd.s32 s3, s28;
	[dreg:$0xd] =	wrdreg s16  }
0x14: {  	s4 =	ssub.s32 s20, s22;
	s9 =	sshrl.u32 s9, $0x3;
	[dreg:$0xe] =	wrdreg s3  }
0x15: {  	s16 =	sor.u32 $0x8, s7;
	s20 =	sshll.u32 s24, $0x7;
	s24 =	sor.u32 $0x8000, s15  }
0x16: {  	s10 =	sadd.s32 s14, s9;
	s9 =	sadd.s32 s25, s2;
	s5 =	sor.u32 s23, s16  }
0x17: {  	s7 =	sshrl.u32 s16, $0x3;
	s3 =	sshll.u32 s16, $0xB;
	[dreg:$0x15] =	wrdreg s24  }
0x18: {  	s23 =	smax.u32 s4, $0x1;
	s25 =	sor.u32 $0xC000, s15;
	[dreg:$0xc] =	wrdreg s9  }
0x19: {  	s4 =	simm.s32 $0x0;
	s9 =	sand.u32 $0x380, s26;
	[dreg:$0x14] =	wrdreg s23  }
0x1a: {  	s17 =	smul.u32 $0x13D6400, s7;
	s1 =	sadd.s32 s1, s3;
	[dreg:$0x16] =	wrdreg s25  }
0x1b: {  	s18 =	sadd.s32 s3, s28;
	s5 =	sshll.u32 s5, $0x7;
	[dreg:$0x10] =	wrdreg s1  }
0x1c: {  	s26 =	sor.u32 $0x10000, s15;
	s28 =	sor.u32 $0x14000, s15;
	[dreg:$0x11] =	wrdreg s18  }
0x1d: {  	s3 =	simm.s32 $0x3000;
	s23 =	simm.s32 $0x7000;
	[dreg:$0x17] =	wrdreg s26  }
0x1e: {  	s18 =	sadd.s32 s9, s2;
	s21 =	sadd.s32 s9, s12;
	[dreg:$0x18] =	wrdreg s28  }
0x1f: {  	s26 =	simm.s32 $0xB000;
	s1 =	simm.s32 $0x1B000;
	s22 =	sshrl.u32 s17, $0x3  }
0x20: {  	v0 =	vmov s20;
	v1 =	vmov s5;
	s5 =	simm.s32 $0x1B800;
	[dreg:$0xf] =	wrdreg s17;
	s22 =	sadd.s32 s14, s22  }
.LBB2_1:
0x21: {  	[dreg:$0x19] =	wrdreg s4  }
0x22: {  	s2 =	simm.s32 $0x0;
	s28 =	rddreg [dreg:$0x7]  }
0x23: {  	[tilespmem:s29], [sflag:$0x1] =	stream.linear.gather [hbm4b:s28+s2], $0x1000, $0x38;
	[tilespmem:$0x1F800] =	vst v63  }
0x24: {  	_ =	swait.ge [sflag:s30], $0x1000  }
0x25: {  	[sflag:s30] =	ssyncset.done $0x0  }
0x26: {  	s4 =	simm.s32 $0x0;
	[sflag:s30] =	ssyncadd.s32 $0xFFFFF000  }
.LBB2_2:
0x27: {  	s25 =	smul.u32 $0x186A0, s4;
	_ =	sdelay $0x1  }
0x28: {  	s6 =	sand.u32 $0x3FFF80, s25  }
0x29: {  	s2 =	rddreg [dreg:$0xa];
	s28 =	smin.u32 s6, $0x262400  }
0x2a: {  	s11 =	sadd.s32 s2, s28;
	s2 =	stileid.u32  }
0x2b: {  	s12 =	rddreg [dreg:$0xc];
	s8 =	sshll.u32 s2, $0x6  }
0x2c: {  	s9 =	sadd.s32 s11, s10;
	s7 =	sor.u32 $0x1C01, s8;
	s8 =	sshrl.u32 s12, $0x3  }
0x2d: {  	[spmem:s8], [sflag:s7] =	dma.local [hbm:s9], $0x400  }
0x2e: {  	_ =	swait.ge [sflag:s30], $0x400  }
0x2f: {  	[sflag:s30] =	ssyncset.done $0x0  }
0x30: {  	[sflag:s30] =	ssyncadd.s32 $0xFFFFFC00  }
0x31: {  	[bflag:$0x0] =	sbarrier.arrive $0xFFFF  }
0x32: {  	[tilespmem:s3], [sflag:$0x1] =	stream.strided.gather [spmem:s18], $0x4000, s0, s31, $0x38;
	[tilespmem:$0x1F800] =	vst v63  }
0x33: {  	_ =	swait.ge [sflag:s30], $0x4000  }
0x34: {  	[sflag:s30] =	ssyncset.done $0x0;
	s13 =	rddreg [dreg:$0xb]  }
0x35: {  	[sflag:s30] =	ssyncadd.s32 $0xFFFFC000;
	s12 =	sadd.s32 s13, s28  }
0x36: {  	[bflag:$0x0] =	sbarrier.arrive $0xFFFF;
	s6 =	sadd.s32 s12, s10  }
0x37: {  	[spmem:s8], [sflag:s7] =	dma.local [hbm:s6], $0x400  }
0x38: {  	_ =	swait.ge [sflag:s30], $0x400  }
0x39: {  	[sflag:s30] =	ssyncset.done $0x0  }
0x3a: {  	[sflag:s30] =	ssyncadd.s32 $0xFFFFFC00  }
0x3b: {  	[bflag:$0x0] =	sbarrier.arrive $0xFFFF  }
0x3c: {  	[tilespmem:s23], [sflag:$0x1] =	stream.strided.gather [spmem:s18], $0x4000, s0, s31, $0x38;
	[tilespmem:$0x1F800] =	vst v63  }
0x3d: {  	_ =	swait.ge [sflag:s30], $0x4000  }
0x3e: {  	[sflag:s30] =	ssyncset.done $0x0;
	s15 =	rddreg [dreg:$0x15]  }
0x3f: {  	[sflag:s30] =	ssyncadd.s32 $0xFFFFC000;
	s9 =	sadd.s32 s15, s28  }
0x40: {  	[bflag:$0x0] =	sbarrier.arrive $0xFFFF;
	s6 =	sadd.s32 s9, s10  }
0x41: {  	[spmem:s8], [sflag:s7] =	dma.local [hbm:s6], $0x400  }
0x42: {  	_ =	swait.ge [sflag:s30], $0x400  }
0x43: {  	[sflag:s30] =	ssyncset.done $0x0  }
0x44: {  	[sflag:s30] =	ssyncadd.s32 $0xFFFFFC00  }
0x45: {  	[bflag:$0x0] =	sbarrier.arrive $0xFFFF  }
0x46: {  	[tilespmem:s26], [sflag:$0x1] =	stream.strided.gather [spmem:s18], $0x4000, s0, s31, $0x38;
	[tilespmem:$0x1F800] =	vst v63  }
0x47: {  	_ =	swait.ge [sflag:s30], $0x4000  }
0x48: {  	[sflag:s30] =	ssyncset.done $0x0;
	s16 =	rddreg [dreg:$0x16]  }
0x49: {  	[sflag:s30] =	ssyncadd.s32 $0xFFFFC000;
	s15 =	sadd.s32 s16, s28  }
0x4a: {  	[bflag:$0x0] =	sbarrier.arrive $0xFFFF;
	s6 =	sadd.s32 s15, s10  }
0x4b: {  	[spmem:s8], [sflag:s7] =	dma.local [hbm:s6], $0x400  }
0x4c: {  	_ =	swait.ge [sflag:s30], $0x400  }
0x4d: {  	[sflag:s30] =	ssyncset.done $0x0  }
0x4e: {  	[sflag:s30] =	ssyncadd.s32 $0xFFFFFC00  }
0x4f: {  	s17 =	simm.s32 $0xF000;
	[bflag:$0x0] =	sbarrier.arrive $0xFFFF  }
0x50: {  	[tilespmem:s17], [sflag:$0x1] =	stream.strided.gather [spmem:s18], $0x4000, s0, s31, $0x38;
	[tilespmem:$0x1F800] =	vst v63  }
0x51: {  	_ =	swait.ge [sflag:s30], $0x4000  }
0x52: {  	[sflag:s30] =	ssyncset.done $0x0;
	s19 =	rddreg [dreg:$0x17]  }
0x53: {  	[sflag:s30] =	ssyncadd.s32 $0xFFFFC000;
	s16 =	sadd.s32 s19, s28  }
0x54: {  	[bflag:$0x0] =	sbarrier.arrive $0xFFFF;
	s6 =	sadd.s32 s16, s10  }
0x55: {  	[spmem:s8], [sflag:s7] =	dma.local [hbm:s6], $0x400  }
0x56: {  	_ =	swait.ge [sflag:s30], $0x400  }
0x57: {  	[sflag:s30] =	ssyncset.done $0x0  }
0x58: {  	[sflag:s30] =	ssyncadd.s32 $0xFFFFFC00  }
0x59: {  	s20 =	simm.s32 $0x13000;
	[bflag:$0x0] =	sbarrier.arrive $0xFFFF  }
0x5a: {  	[tilespmem:s20], [sflag:$0x1] =	stream.strided.gather [spmem:s18], $0x4000, s0, s31, $0x38;
	[tilespmem:$0x1F800] =	vst v63  }
0x5b: {  	_ =	swait.ge [sflag:s30], $0x4000  }
0x5c: {  	[sflag:s30] =	ssyncset.done $0x0;
	s23 =	rddreg [dreg:$0x18]  }
0x5d: {  	[sflag:s30] =	ssyncadd.s32 $0xFFFFC000;
	s17 =	sadd.s32 s23, s28  }
0x5e: {  	[bflag:$0x0] =	sbarrier.arrive $0xFFFF;
	s6 =	sadd.s32 s17, s10  }
0x5f: {  	[spmem:s8], [sflag:s7] =	dma.local [hbm:s6], $0x400  }
0x60: {  	_ =	swait.ge [sflag:s30], $0x400  }
0x61: {  	[sflag:s30] =	ssyncset.done $0x0  }
0x62: {  	[sflag:s30] =	ssyncadd.s32 $0xFFFFFC00  }
0x63: {  	s24 =	simm.s32 $0x17000;
	s26 =	sshrl.u32 s28, $0x7;
	[bflag:$0x0] =	sbarrier.arrive $0xFFFF  }
0x64: {  	[tilespmem:s24], [sflag:$0x1] =	stream.strided.gather [spmem:s18], $0x4000, s0, s31, $0x38;
	[tilespmem:$0x1F800] =	vst v63  }
0x65: {  	s6 =	sadd.s32 s2, s26;
	_ =	swait.ge [sflag:s30], $0x4000  }
0x66: {  	s6 =	sshll.u32 s6, $0xA;
	[sflag:s30] =	ssyncset.done $0x0  }
0x67: {  	s19 =	sadd.s32 $0xC0000, s6;
	s13 =	rddreg [dreg:$0x8];
	[sflag:s30] =	ssyncadd.s32 $0xFFFFC000  }
0x68: {  	s6 =	sadd.s32 s13, s19;
	[bflag:$0x0] =	sbarrier.arrive $0xFFFF  }
0x69: {  	s6 =	sshrl.u32 s6, $0x3;
	s13 =	rddreg [dreg:$0x12]  }
0x6a: {  	s6 =	sadd.s32 s14, s6;
	s20 =	sshrl.u32 s13, $0x3  }
0x6b: {  	[spmem:s20], [sflag:s7] =	dma.local [hbm:s6], $0x80  }
0x6c: {  	_ =	swait.ge [sflag:s30], $0x80  }
0x6d: {  	[sflag:s30] =	ssyncset.done $0x0  }
0x6e: {  	[sflag:s30] =	ssyncadd.s32 $0xFFFFFF80  }
0x6f: {  	[bflag:$0x0] =	sbarrier.arrive $0xFFFF  }
0x70: {  	[tilespmem:s1], [sflag:$0x1] =	stream.strided.gather [spmem:s18], $0x800, s0, s31, $0x38;
	[tilespmem:$0x1F800] =	vst v63  }
0x71: {  	_ =	swait.ge [sflag:s30], $0x800  }
0x72: {  	[sflag:s30] =	ssyncset.done $0x0  }
0x73: {  	s2 =	smov.u32 s14;
	[sflag:s30] =	ssyncadd.s32 $0xFFFFF800  }
0x74: {  	s14 =	sshll.u32 s4, $0xB;
	s23 =	rddreg [dreg:$0x9];
	[bflag:$0x0] =	sbarrier.arrive $0xFFFF  }
0x75: {  	s26 =	sor.u32 s23, s14;
	s24 =	rddreg [dreg:$0x6]  }
0x76: {  	s13 =	simm.s32 $0x0;
	s24 =	sadd.s32 s24, s26  }
0x77: {  	[tilespmem:s5], [sflag:$0x1] =	stream.linear.gather [hbm4b:s24+s13], $0x1000, $0x38;
	[tilespmem:$0x1F800] =	vst v63  }
0x78: {  	s14 =	sand.u32 $0x3E00, s13;
	_ =	swait.ge [sflag:s30], $0x1000  }
0x79: {  	s6 =	sand.u32 $0x70, s13;
	s13 =	sshrl.u32 s14, $0x2;
	[sflag:s30] =	ssyncset.done $0x0  }
0x7a: {  	s6 =	sor.u32 s6, s13;
	[sflag:s30] =	ssyncadd.s32 $0xFFFFF000  }
0x7b: {  	v6 =	vld [tilespmem:s6+$0x1B800];
	_ =	sdelay $0x2  }
0x7c: {  	s23 =	ssub.s32 $0x27AC00, s25  }
0x7d: {  	v2 =	vmov s23  }
0x7e: {  	s25 =	ssub.s32 s25, s28;
	v4 =	vsub.s32 v6, v2  }
0x7f: {  	v3 =	vmov s25;
	vm0 =	vgt.s32 v4, $0x0  }
0x80: {  	v5 =	vadd.s32 v3, v6;
	v4 =	vnsel vm0, $0x0, v4  }
0x81: {  	vm0 =	vlt.s32 v5, $0x187FF;
	v7 =	vand.u32 $0x7FFFFF80, v4  }
0x82: {  	v5 =	vnsel vm0, $0x187FF, v5;
	v4 =	vand.u32 $0x7F, v4;
	v7 =	vadd.s32 v0, v7  }
0x83: {  	v7 =	vor.u32 v4, v7;
	_ =	sdelay $0x3  }
0x84: {  	v4 =	vld.idx.msk [tilespmem:v5+s3+$0x0], $0xffff  }
0x85: {  	v5 =	vld.idx.msk [tilespmem:v7+s29+$0x0], $0xffff;
	_ =	sdelay $0x2  }
0x86: {  	s28 =	simm.s32 $0x10;
	s25 =	simm.s32 $0x40  }
0x87: {  	s23 =	simm.s32 $0x0;
	s13 =	sand.u32 $0x3E00, s25;
	s6 =	simm.s32 $0x80;
	vm0 =	vlt.s32 v6, v2  }
.LBB2_3:
0x88: {  	p3 =	sne.s32 s6, $0x3FC0;
	s14 =	sand.u32 $0x70, s28;
	s13 =	sshrl.u32 s13, $0x2;
	v4 =	vsel vm0, v4, v5  }
0x89: {  	s13 =	sor.u32 s14, s13;
	[tilespmem:s23+$0x1C800] =	vst v4;
	s14 =	smov.u32 s25;
	s25 =	smov.u32 s6  }
0x8a: {  	v6 =	vld [tilespmem:s13+$0x1B800];
	_ =	sdelay $0x4  }
0x8b: {  	v4 =	vsub.s32 v6, v2  }
0x8c: {  	vm0 =	vgt.s32 v4, $0x0  }
0x8d: {  	v5 =	vadd.s32 v3, v6;
	v4 =	vnsel vm0, $0x0, v4  }
0x8e: {  	vm0 =	vlt.s32 v5, $0x187FF;
	v7 =	vand.u32 $0x7FFFFF80, v4  }
0x8f: {  	v5 =	vnsel vm0, $0x187FF, v5;
	v4 =	vand.u32 $0x7F, v4;
	v7 =	vadd.s32 v0, v7  }
0x90: {  	v7 =	vor.u32 v4, v7;
	_ =	sdelay $0x3  }
0x91: {  	v4 =	vld.idx.msk [tilespmem:v5+s3+$0x0], $0xffff  }
0x92: {  	v5 =	vld.idx.msk [tilespmem:v7+s29+$0x0], $0xffff  }
.Ltmp0:
0x93: {  	(pc) =	sbr.rel @p3 .LBB2_3-.Ltmp0, $3  }
0x94: {  	_ =	sdelay $0x1  }
0x95: {  	s28 =	sadd.s32 $0x10, s28  }
0x96: {  	s6 =	sadd.s32 $0x40, s6;
	s13 =	sand.u32 $0x3E00, s25;
	s23 =	sshra.s32 s14, $0x2;
	vm0 =	vlt.s32 v6, v2  }
0x97: {  	s6 =	sand.u32 $0x70, s28;
	s13 =	sshrl.u32 s13, $0x2;
	v4 =	vsel vm0, v4, v5  }
0x98: {  	s6 =	sor.u32 s6, s13;
	[tilespmem:s23+$0x1C800] =	vst v4  }
0x99: {  	v4 =	vld [tilespmem:s6+$0x1B800];
	_ =	sdelay $0x4  }
0x9a: {  	v5 =	vsub.s32 v4, v2  }
0x9b: {  	vm0 =	vgt.s32 v5, $0x0  }
0x9c: {  	v6 =	vadd.s32 v3, v4;
	v5 =	vnsel vm0, $0x0, v5  }
0x9d: {  	vm0 =	vlt.s32 v6, $0x187FF;
	v7 =	vand.u32 $0x7FFFFF80, v5  }
0x9e: {  	v6 =	vnsel vm0, $0x187FF, v6;
	v5 =	vand.u32 $0x7F, v5;
	v7 =	vadd.s32 v0, v7  }
0x9f: {  	v5 =	vor.u32 v5, v7;
	_ =	sdelay $0x3  }
0xa0: {  	v6 =	vld.idx.msk [tilespmem:v6+s3+$0x0], $0xffff  }
0xa1: {  	v5 =	vld.idx.msk [tilespmem:v5+s29+$0x0], $0xffff;
	_ =	sdelay $0x3  }
0xa2: {  	vm0 =	vlt.s32 v4, v2  }
0xa3: {  	s14 =	rddreg [dreg:$0x13];
	s13 =	sshra.s32 s25, $0x2;
	v4 =	vsel vm0, v6, v5  }
0xa4: {  	s25 =	sadd.s32 s26, s14;
	s14 =	simm.s32 $0x0;
	[tilespmem:s13+$0x1C800] =	vst v4  }
0xa5: {  	[tilespmem:s5], [sflag:$0x1] =	stream.linear.gather [hbm4b:s25+s14], $0x1000, $0x38;
	[tilespmem:$0x1F800] =	vst v63  }
0xa6: {  	s23 =	sand.u32 $0x3E00, s14;
	_ =	swait.ge [sflag:s30], $0x1000  }
0xa7: {  	s26 =	sand.u32 $0x70, s14;
	s6 =	sshrl.u32 s23, $0x2;
	[sflag:s30] =	ssyncset.done $0x0  }
0xa8: {  	s6 =	sor.u32 s26, s6;
	[sflag:s30] =	ssyncadd.s32 $0xFFFFF000  }
0xa9: {  	v6 =	vld [tilespmem:s6+$0x1B800];
	_ =	sdelay $0x4  }
0xaa: {  	v4 =	vsub.s32 v6, v2  }
0xab: {  	vm0 =	vgt.s32 v4, $0x0  }
0xac: {  	v5 =	vadd.s32 v3, v6;
	v4 =	vnsel vm0, $0x0, v4  }
0xad: {  	vm0 =	vlt.s32 v5, $0x187FF;
	v7 =	vand.u32 $0x7FFFFF80, v4  }
0xae: {  	v5 =	vnsel vm0, $0x187FF, v5;
	v4 =	vand.u32 $0x7F, v4;
	v7 =	vadd.s32 v0, v7  }
0xaf: {  	v7 =	vor.u32 v4, v7;
	_ =	sdelay $0x3  }
0xb0: {  	v4 =	vld.idx.msk [tilespmem:v5+s3+$0x0], $0xffff  }
0xb1: {  	v5 =	vld.idx.msk [tilespmem:v7+s29+$0x0], $0xffff;
	_ =	sdelay $0x2  }
0xb2: {  	s28 =	simm.s32 $0x40;
	s23 =	sand.u32 $0xFF0, s14  }
0xb3: {  	s26 =	simm.s32 $0x10;
	s13 =	sand.u32 $0x3E00, s28;
	s6 =	simm.s32 $0x80;
	vm0 =	vlt.s32 v6, v2  }
.LBB2_5:
0xb4: {  	p3 =	sne.s32 s6, $0x3FC0;
	s14 =	sand.u32 $0x70, s26;
	s13 =	sshrl.u32 s13, $0x2;
	v4 =	vsel vm0, v4, v5  }
0xb5: {  	s13 =	sor.u32 s14, s13;
	[tilespmem:s23+$0x1D800] =	vst v4;
	s14 =	smov.u32 s26  }
0xb6: {  	v6 =	vld [tilespmem:s13+$0x1B800];
	_ =	sdelay $0x4  }
0xb7: {  	v4 =	vsub.s32 v6, v2  }
0xb8: {  	vm0 =	vgt.s32 v4, $0x0  }
0xb9: {  	v5 =	vadd.s32 v3, v6;
	v4 =	vnsel vm0, $0x0, v4  }
0xba: {  	vm0 =	vlt.s32 v5, $0x187FF;
	v7 =	vand.u32 $0x7FFFFF80, v4  }
0xbb: {  	v5 =	vnsel vm0, $0x187FF, v5;
	v4 =	vand.u32 $0x7F, v4;
	v7 =	vadd.s32 v0, v7  }
0xbc: {  	v7 =	vor.u32 v4, v7;
	_ =	sdelay $0x3  }
0xbd: {  	v4 =	vld.idx.msk [tilespmem:v5+s3+$0x0], $0xffff  }
0xbe: {  	v5 =	vld.idx.msk [tilespmem:v7+s29+$0x0], $0xffff  }
.Ltmp1:
0xbf: {  	(pc) =	sbr.rel @p3 .LBB2_5-.Ltmp1, $3  }
0xc0: {  	_ =	sdelay $0x1  }
0xc1: {  	s26 =	sadd.s32 $0x10, s26  }
0xc2: {  	s13 =	sand.u32 $0x3E00, s6;
	s6 =	sadd.s32 $0x40, s6;
	s23 =	sand.u32 $0xFF0, s14;
	vm0 =	vlt.s32 v6, v2  }
0xc3: {  	s6 =	sand.u32 $0x70, s26;
	s13 =	sshrl.u32 s13, $0x2;
	v4 =	vsel vm0, v4, v5  }
0xc4: {  	s6 =	sor.u32 s6, s13;
	[tilespmem:s23+$0x1D800] =	vst v4  }
0xc5: {  	v4 =	vld [tilespmem:s6+$0x1B800];
	_ =	sdelay $0x4  }
0xc6: {  	v5 =	vsub.s32 v4, v2  }
0xc7: {  	vm13 =	vgt.s32 v5, $0x0  }
0xc8: {  	v6 =	vadd.s32 v3, v4;
	v5 =	vnsel vm13, $0x0, v5  }
0xc9: {  	vm14 =	vlt.s32 v6, $0x187FF;
	v7 =	vand.u32 $0x7FFFFF80, v5  }
0xca: {  	v6 =	vnsel vm14, $0x187FF, v6;
	v5 =	vand.u32 $0x7F, v5;
	v7 =	vadd.s32 v0, v7  }
0xcb: {  	v5 =	vor.u32 v5, v7;
	_ =	sdelay $0x3  }
0xcc: {  	v6 =	vld.idx.msk [tilespmem:v6+s3+$0x0], $0xffff  }
0xcd: {  	v5 =	vld.idx.msk [tilespmem:v5+s29+$0x0], $0xffff;
	_ =	sdelay $0x1  }
.Ltmp2:
0xce: {  	_ = 	snop;
	(pc) =	sbr.rel @!p0 .LBB2_7-.Ltmp2, $4  }
0xcf: {  	_ = 	snop  }
0xd0: {  	vm15 =	vlt.s32 v4, v2  }
0xd1: {  	s28 =	sand.u32 $0xFF0, s26;
	v4 =	vsel vm15, v6, v5  }
0xd2: {  	[tilespmem:s28+$0x1D800] =	vst v4  }
.Ltmp3:
0xd3: {  	(pc) =	sbr.rel @p2 .LBB2_12-.Ltmp3, $3  }
0xd4: {  	_ =	sdelay $0x1  }
0xd5: {  	[bflag:$0x0] =	sbarrier.arrive $0xFFFF  }
0xd6: {  	s23 =	simm.s32 $0x7000;
	s26 =	simm.s32 $0xB000  }
.Ltmp4:
0xd7: {  	[bflag:$0x0] =	sbarrier.arrive $0xFFFF;
	s6 =	simm.s32 $0x1C800;
	(pc) =	sbr.rel .LBB2_11-.Ltmp4, $4  }
0xd8: {  	[spmem:s21] =	stream.strided.scatter [tilespmem:s6], [sflag:$0x1], $0x2000, s0, s31, $0x38;
	[tilespmem:$0x1F800] =	vst v63  }
0xd9: {  	_ =	swait.ge [sflag:s30], $0x2000  }
0xda: {  	[sflag:s30] =	ssyncset.done $0x0  }
0xdb: {  	[sflag:s30] =	ssyncadd.s32 $0xFFFFE000  }
.LBB2_7:
0xdc: {  	s6 =	simm.s32 $0x1C800  }
0xdd: {  	[spmem:s21] =	stream.strided.scatter [tilespmem:s6], [sflag:$0x1], $0x2000, s0, s31, $0x38;
	[tilespmem:$0x1F800] =	vst v63  }
.Ltmp5:
0xde: {  	_ =	swait.ge [sflag:s30], $0x2000;
	(pc) =	sbr.rel @p2 .LBB2_12-.Ltmp5, $4  }
0xdf: {  	[sflag:s30] =	ssyncset.done $0x0  }
0xe0: {  	[sflag:s30] =	ssyncadd.s32 $0xFFFFE000  }
0xe1: {  	[bflag:$0x0] =	sbarrier.arrive $0xFFFF  }
0xe2: {  	s23 =	simm.s32 $0x7000;
	s26 =	simm.s32 $0xB000  }
0xe3: {  	[bflag:$0x0] =	sbarrier.arrive $0xFFFF  }
.LBB2_11:
.Ltmp6:
0xe4: {  	(pc) =	sbr.rel .LBB2_13-.Ltmp6, $3  }
0xe5: {  	_ =	sdelay $0x1  }
0xe6: {  	[bflag:$0x0] =	sbarrier.arrive $0xFFFF  }
0xe7: {  	p3 =	por $0x0, $0x0;
	s14 =	smov.u32 s2  }
.LBB2_12:
0xe8: {  	s13 =	rddreg [dreg:$0xd]  }
0xe9: {  	s6 =	sshll.u32 s4, $0x10;
	s14 =	rddreg [dreg:$0x4]  }
0xea: {  	s13 =	sadd.s32 s6, s13;
	s14 =	sshrl.u32 s14, $0x3  }
0xeb: {  	[hbm:s13], [sflag:s7] =	dma.local [spmem:s14], $0x2000  }
0xec: {  	_ =	swait.ge [sflag:s30], $0x2000  }
0xed: {  	[sflag:s30] =	ssyncset.done $0x0  }
0xee: {  	[sflag:s30] =	ssyncadd.s32 $0xFFFFE000  }
0xef: {  	[bflag:$0x0] =	sbarrier.arrive $0xFFFF  }
0xf0: {  	[bflag:$0x0] =	sbarrier.arrive $0xFFFF  }
0xf1: {  	s28 =	rddreg [dreg:$0xe]  }
0xf2: {  	s6 =	sadd.s32 s6, s28  }
0xf3: {  	[hbm:s6], [sflag:s7] =	dma.local [spmem:s14], $0x2000  }
0xf4: {  	_ =	swait.ge [sflag:s30], $0x2000  }
0xf5: {  	[sflag:s30] =	ssyncset.done $0x0  }
0xf6: {  	p3 =	por $0x1, $0x1;
	s14 =	smov.u32 s2;
	[sflag:s30] =	ssyncadd.s32 $0xFFFFE000  }
.LBB2_13:
0xf7: {  	[bflag:$0x0] =	sbarrier.arrive $0xFFFF;
	s6 =	sadd.s32 s11, s22  }
0xf8: {  	[spmem:s8], [sflag:s7] =	dma.local [hbm:s6], $0x400  }
0xf9: {  	_ =	swait.ge [sflag:s30], $0x400  }
0xfa: {  	[sflag:s30] =	ssyncset.done $0x0  }
0xfb: {  	[sflag:s30] =	ssyncadd.s32 $0xFFFFFC00  }
0xfc: {  	[bflag:$0x0] =	sbarrier.arrive $0xFFFF  }
0xfd: {  	[tilespmem:s3], [sflag:$0x1] =	stream.strided.gather [spmem:s18], $0x4000, s0, s31, $0x38;
	[tilespmem:$0x1F800] =	vst v63  }
0xfe: {  	_ =	swait.ge [sflag:s30], $0x4000  }
0xff: {  	[sflag:s30] =	ssyncset.done $0x0  }
0x100: {  	[sflag:s30] =	ssyncadd.s32 $0xFFFFC000  }
0x101: {  	s2 =	sadd.s32 s12, s22;
	[bflag:$0x0] =	sbarrier.arrive $0xFFFF  }
0x102: {  	[spmem:s8], [sflag:s7] =	dma.local [hbm:s2], $0x400  }
0x103: {  	_ =	swait.ge [sflag:s30], $0x400  }
0x104: {  	[sflag:s30] =	ssyncset.done $0x0  }
0x105: {  	[sflag:s30] =	ssyncadd.s32 $0xFFFFFC00  }
0x106: {  	[bflag:$0x0] =	sbarrier.arrive $0xFFFF  }
0x107: {  	[tilespmem:s23], [sflag:$0x1] =	stream.strided.gather [spmem:s18], $0x4000, s0, s31, $0x38;
	[tilespmem:$0x1F800] =	vst v63  }
0x108: {  	_ =	swait.ge [sflag:s30], $0x4000  }
0x109: {  	[sflag:s30] =	ssyncset.done $0x0  }
0x10a: {  	[sflag:s30] =	ssyncadd.s32 $0xFFFFC000  }
0x10b: {  	s9 =	sadd.s32 s9, s22;
	[bflag:$0x0] =	sbarrier.arrive $0xFFFF  }
0x10c: {  	[spmem:s8], [sflag:s7] =	dma.local [hbm:s9], $0x400  }
0x10d: {  	_ =	swait.ge [sflag:s30], $0x400  }
0x10e: {  	[sflag:s30] =	ssyncset.done $0x0  }
0x10f: {  	[sflag:s30] =	ssyncadd.s32 $0xFFFFFC00  }
0x110: {  	[bflag:$0x0] =	sbarrier.arrive $0xFFFF  }
0x111: {  	[tilespmem:s26], [sflag:$0x1] =	stream.strided.gather [spmem:s18], $0x4000, s0, s31, $0x38;
	[tilespmem:$0x1F800] =	vst v63  }
0x112: {  	_ =	swait.ge [sflag:s30], $0x4000  }
0x113: {  	[sflag:s30] =	ssyncset.done $0x0  }
0x114: {  	[sflag:s30] =	ssyncadd.s32 $0xFFFFC000  }
0x115: {  	s11 =	sadd.s32 s15, s22;
	[bflag:$0x0] =	sbarrier.arrive $0xFFFF  }
0x116: {  	[spmem:s8], [sflag:s7] =	dma.local [hbm:s11], $0x400  }
0x117: {  	_ =	swait.ge [sflag:s30], $0x400  }
0x118: {  	[sflag:s30] =	ssyncset.done $0x0  }
0x119: {  	[sflag:s30] =	ssyncadd.s32 $0xFFFFFC00  }
0x11a: {  	s2 =	simm.s32 $0xF000;
	[bflag:$0x0] =	sbarrier.arrive $0xFFFF  }
0x11b: {  	[tilespmem:s2], [sflag:$0x1] =	stream.strided.gather [spmem:s18], $0x4000, s0, s31, $0x38;
	[tilespmem:$0x1F800] =	vst v63  }
0x11c: {  	_ =	swait.ge [sflag:s30], $0x4000  }
0x11d: {  	[sflag:s30] =	ssyncset.done $0x0  }
0x11e: {  	[sflag:s30] =	ssyncadd.s32 $0xFFFFC000  }
0x11f: {  	s12 =	sadd.s32 s16, s22;
	[bflag:$0x0] =	sbarrier.arrive $0xFFFF  }
0x120: {  	[spmem:s8], [sflag:s7] =	dma.local [hbm:s12], $0x400  }
0x121: {  	_ =	swait.ge [sflag:s30], $0x400  }
0x122: {  	[sflag:s30] =	ssyncset.done $0x0  }
0x123: {  	[sflag:s30] =	ssyncadd.s32 $0xFFFFFC00  }
0x124: {  	s13 =	simm.s32 $0x13000;
	[bflag:$0x0] =	sbarrier.arrive $0xFFFF  }
0x125: {  	[tilespmem:s13], [sflag:$0x1] =	stream.strided.gather [spmem:s18], $0x4000, s0, s31, $0x38;
	[tilespmem:$0x1F800] =	vst v63  }
0x126: {  	_ =	swait.ge [sflag:s30], $0x4000  }
0x127: {  	[sflag:s30] =	ssyncset.done $0x0  }
0x128: {  	[sflag:s30] =	ssyncadd.s32 $0xFFFFC000  }
0x129: {  	s15 =	sadd.s32 s17, s22;
	[bflag:$0x0] =	sbarrier.arrive $0xFFFF  }
0x12a: {  	[spmem:s8], [sflag:s7] =	dma.local [hbm:s15], $0x400  }
0x12b: {  	_ =	swait.ge [sflag:s30], $0x400  }
0x12c: {  	[sflag:s30] =	ssyncset.done $0x0  }
0x12d: {  	[sflag:s30] =	ssyncadd.s32 $0xFFFFFC00  }
0x12e: {  	s16 =	simm.s32 $0x17000;
	[bflag:$0x0] =	sbarrier.arrive $0xFFFF  }
0x12f: {  	[tilespmem:s16], [sflag:$0x1] =	stream.strided.gather [spmem:s18], $0x4000, s0, s31, $0x38;
	[tilespmem:$0x1F800] =	vst v63  }
0x130: {  	_ =	swait.ge [sflag:s30], $0x4000  }
0x131: {  	s17 =	rddreg [dreg:$0xf]  }
0x132: {  	[sflag:s30] =	ssyncset.done $0x0;
	s19 =	sadd.s32 s17, s19  }
0x133: {  	[sflag:s30] =	ssyncadd.s32 $0xFFFFC000;
	s6 =	sshrl.u32 s19, $0x3  }
0x134: {  	[bflag:$0x0] =	sbarrier.arrive $0xFFFF;
	s6 =	sadd.s32 s14, s6  }
0x135: {  	[spmem:s20], [sflag:s7] =	dma.local [hbm:s6], $0x80  }
0x136: {  	_ =	swait.ge [sflag:s30], $0x80  }
0x137: {  	[sflag:s30] =	ssyncset.done $0x0  }
0x138: {  	[sflag:s30] =	ssyncadd.s32 $0xFFFFFF80  }
0x139: {  	[bflag:$0x0] =	sbarrier.arrive $0xFFFF  }
0x13a: {  	[tilespmem:s1], [sflag:$0x1] =	stream.strided.gather [spmem:s18], $0x800, s0, s31, $0x38;
	[tilespmem:$0x1F800] =	vst v63  }
0x13b: {  	_ =	swait.ge [sflag:s30], $0x800  }
0x13c: {  	[sflag:s30] =	ssyncset.done $0x0  }
0x13d: {  	[sflag:s30] =	ssyncadd.s32 $0xFFFFF800  }
0x13e: {  	s20 =	simm.s32 $0x0;
	[bflag:$0x0] =	sbarrier.arrive $0xFFFF  }
0x13f: {  	[tilespmem:s5], [sflag:$0x1] =	stream.linear.gather [hbm4b:s24+s20], $0x1000, $0x38;
	[tilespmem:$0x1F800] =	vst v63  }
0x140: {  	s28 =	sand.u32 $0x3E00, s20;
	_ =	swait.ge [sflag:s30], $0x1000  }
0x141: {  	s6 =	sand.u32 $0x70, s20;
	s8 =	sshrl.u32 s28, $0x2;
	[sflag:s30] =	ssyncset.done $0x0  }
0x142: {  	s6 =	sor.u32 s6, s8;
	[sflag:s30] =	ssyncadd.s32 $0xFFFFF000  }
0x143: {  	v6 =	vld [tilespmem:s6+$0x1B800];
	_ =	sdelay $0x4  }
0x144: {  	v4 =	vsub.s32 v6, v2  }
0x145: {  	vm0 =	vgt.s32 v4, $0x0  }
0x146: {  	v5 =	vadd.s32 v3, v6;
	v4 =	vnsel vm0, $0x0, v4  }
0x147: {  	vm0 =	vlt.s32 v5, $0x187FF;
	v7 =	vand.u32 $0x7FFFFF80, v4  }
0x148: {  	v5 =	vnsel vm0, $0x187FF, v5;
	v4 =	vand.u32 $0x7F, v4;
	v7 =	vadd.s32 v1, v7  }
0x149: {  	v7 =	vor.u32 v4, v7;
	_ =	sdelay $0x3  }
0x14a: {  	v4 =	vld.idx.msk [tilespmem:v5+s3+$0x0], $0xffff  }
0x14b: {  	v5 =	vld.idx.msk [tilespmem:v7+s29+$0x0], $0xffff;
	_ =	sdelay $0x2  }
0x14c: {  	s9 =	simm.s32 $0x10;
	s8 =	simm.s32 $0x40  }
0x14d: {  	s11 =	simm.s32 $0x0;
	s12 =	sand.u32 $0x3E00, s8;
	s6 =	simm.s32 $0x80;
	vm0 =	vlt.s32 v6, v2  }
.LBB2_14:
0x14e: {  	p4 =	sne.s32 s6, $0x3FC0;
	s13 =	sand.u32 $0x70, s9;
	s12 =	sshrl.u32 s12, $0x2;
	v4 =	vsel vm0, v4, v5  }
0x14f: {  	s12 =	sor.u32 s13, s12;
	[tilespmem:s11+$0x1C800] =	vst v4;
	s11 =	smov.u32 s8;
	s8 =	smov.u32 s6  }
0x150: {  	v6 =	vld [tilespmem:s12+$0x1B800];
	_ =	sdelay $0x4  }
0x151: {  	v4 =	vsub.s32 v6, v2  }
0x152: {  	vm0 =	vgt.s32 v4, $0x0  }
0x153: {  	v5 =	vadd.s32 v3, v6;
	v4 =	vnsel vm0, $0x0, v4  }
0x154: {  	vm0 =	vlt.s32 v5, $0x187FF;
	v7 =	vand.u32 $0x7FFFFF80, v4  }
0x155: {  	v5 =	vnsel vm0, $0x187FF, v5;
	v4 =	vand.u32 $0x7F, v4;
	v7 =	vadd.s32 v1, v7  }
0x156: {  	v7 =	vor.u32 v4, v7;
	_ =	sdelay $0x3  }
0x157: {  	v4 =	vld.idx.msk [tilespmem:v5+s3+$0x0], $0xffff  }
0x158: {  	v5 =	vld.idx.msk [tilespmem:v7+s29+$0x0], $0xffff  }
.Ltmp7:
0x159: {  	(pc) =	sbr.rel @p4 .LBB2_14-.Ltmp7, $3  }
0x15a: {  	_ =	sdelay $0x1  }
0x15b: {  	s9 =	sadd.s32 $0x10, s9  }
0x15c: {  	s6 =	sadd.s32 $0x40, s6;
	s12 =	sand.u32 $0x3E00, s8;
	s11 =	sshra.s32 s11, $0x2;
	vm0 =	vlt.s32 v6, v2  }
0x15d: {  	s6 =	sand.u32 $0x70, s9;
	s17 =	sshrl.u32 s12, $0x2;
	v4 =	vsel vm0, v4, v5  }
0x15e: {  	s6 =	sor.u32 s6, s17;
	[tilespmem:s11+$0x1C800] =	vst v4  }
0x15f: {  	v4 =	vld [tilespmem:s6+$0x1B800];
	_ =	sdelay $0x4  }
0x160: {  	v5 =	vsub.s32 v4, v2  }
0x161: {  	vm0 =	vgt.s32 v5, $0x0  }
0x162: {  	v6 =	vadd.s32 v3, v4;
	v5 =	vnsel vm0, $0x0, v5  }
0x163: {  	vm0 =	vlt.s32 v6, $0x187FF;
	v7 =	vand.u32 $0x7FFFFF80, v5  }
0x164: {  	v6 =	vnsel vm0, $0x187FF, v6;
	v5 =	vand.u32 $0x7F, v5;
	v7 =	vadd.s32 v1, v7  }
0x165: {  	v5 =	vor.u32 v5, v7;
	_ =	sdelay $0x3  }
0x166: {  	v6 =	vld.idx.msk [tilespmem:v6+s3+$0x0], $0xffff  }
0x167: {  	v5 =	vld.idx.msk [tilespmem:v5+s29+$0x0], $0xffff;
	_ =	sdelay $0x3  }
0x168: {  	vm0 =	vlt.s32 v4, v2  }
0x169: {  	s19 =	sshra.s32 s8, $0x2;
	v4 =	vsel vm0, v6, v5  }
0x16a: {  	s20 =	simm.s32 $0x0;
	[tilespmem:s19+$0x1C800] =	vst v4  }
0x16b: {  	[tilespmem:s5], [sflag:$0x1] =	stream.linear.gather [hbm4b:s25+s20], $0x1000, $0x38;
	[tilespmem:$0x1F800] =	vst v63  }
0x16c: {  	s24 =	sand.u32 $0x3E00, s20;
	_ =	swait.ge [sflag:s30], $0x1000  }
0x16d: {  	s6 =	sshrl.u32 s24, $0x2;
	s25 =	sand.u32 $0x70, s20;
	[sflag:s30] =	ssyncset.done $0x0  }
0x16e: {  	s6 =	sor.u32 s25, s6;
	[sflag:s30] =	ssyncadd.s32 $0xFFFFF000  }
0x16f: {  	v6 =	vld [tilespmem:s6+$0x1B800];
	_ =	sdelay $0x4  }
0x170: {  	v4 =	vsub.s32 v6, v2  }
0x171: {  	vm0 =	vgt.s32 v4, $0x0  }
0x172: {  	v5 =	vadd.s32 v3, v6;
	v4 =	vnsel vm0, $0x0, v4  }
0x173: {  	vm0 =	vlt.s32 v5, $0x187FF;
	v7 =	vand.u32 $0x7FFFFF80, v4  }
0x174: {  	v5 =	vnsel vm0, $0x187FF, v5;
	v4 =	vand.u32 $0x7F, v4;
	v7 =	vadd.s32 v1, v7  }
0x175: {  	v7 =	vor.u32 v4, v7;
	_ =	sdelay $0x3  }
0x176: {  	v4 =	vld.idx.msk [tilespmem:v5+s3+$0x0], $0xffff  }
0x177: {  	v5 =	vld.idx.msk [tilespmem:v7+s29+$0x0], $0xffff;
	_ =	sdelay $0x2  }
0x178: {  	s28 =	simm.s32 $0x40;
	s8 =	simm.s32 $0x10  }
0x179: {  	s11 =	sand.u32 $0x3E00, s28;
	s9 =	sand.u32 $0xFF0, s20;
	s6 =	simm.s32 $0x80;
	vm0 =	vlt.s32 v6, v2  }
.LBB2_16:
0x17a: {  	p4 =	sne.s32 s6, $0x3FC0;
	s12 =	sand.u32 $0x70, s8;
	s11 =	sshrl.u32 s11, $0x2;
	v4 =	vsel vm0, v4, v5  }
0x17b: {  	s11 =	sor.u32 s12, s11;
	[tilespmem:s9+$0x1D800] =	vst v4;
	s9 =	smov.u32 s8  }
0x17c: {  	v6 =	vld [tilespmem:s11+$0x1B800];
	_ =	sdelay $0x4  }
0x17d: {  	v4 =	vsub.s32 v6, v2  }
0x17e: {  	vm0 =	vgt.s32 v4, $0x0  }
0x17f: {  	v5 =	vadd.s32 v3, v6;
	v4 =	vnsel vm0, $0x0, v4  }
0x180: {  	vm0 =	vlt.s32 v5, $0x187FF;
	v7 =	vand.u32 $0x7FFFFF80, v4  }
0x181: {  	v5 =	vnsel vm0, $0x187FF, v5;
	v4 =	vand.u32 $0x7F, v4;
	v7 =	vadd.s32 v1, v7  }
0x182: {  	v7 =	vor.u32 v4, v7;
	_ =	sdelay $0x3  }
0x183: {  	v4 =	vld.idx.msk [tilespmem:v5+s3+$0x0], $0xffff  }
0x184: {  	v5 =	vld.idx.msk [tilespmem:v7+s29+$0x0], $0xffff  }
.Ltmp8:
0x185: {  	(pc) =	sbr.rel @p4 .LBB2_16-.Ltmp8, $3  }
0x186: {  	_ =	sdelay $0x1  }
0x187: {  	s8 =	sadd.s32 $0x10, s8  }
0x188: {  	s11 =	sand.u32 $0x3E00, s6;
	s6 =	sadd.s32 $0x40, s6;
	s9 =	sand.u32 $0xFF0, s9;
	vm0 =	vlt.s32 v6, v2  }
0x189: {  	s6 =	sand.u32 $0x70, s8;
	s11 =	sshrl.u32 s11, $0x2;
	v4 =	vsel vm0, v4, v5  }
0x18a: {  	s6 =	sor.u32 s6, s11;
	[tilespmem:s9+$0x1D800] =	vst v4  }
0x18b: {  	v4 =	vld [tilespmem:s6+$0x1B800];
	_ =	sdelay $0x4  }
0x18c: {  	v63 =	vsub.s32 v4, v2  }
0x18d: {  	vm13 =	vgt.s32 v63, $0x0  }
0x18e: {  	v3 =	vadd.s32 v3, v4;
	v5 =	vnsel vm13, $0x0, v63  }
0x18f: {  	vm14 =	vlt.s32 v3, $0x187FF;
	v6 =	vand.u32 $0x7FFFFF80, v5  }
0x190: {  	v3 =	vnsel vm14, $0x187FF, v3;
	v5 =	vand.u32 $0x7F, v5;
	v6 =	vadd.s32 v1, v6  }
0x191: {  	v5 =	vor.u32 v5, v6;
	_ =	sdelay $0x3  }
0x192: {  	v3 =	vld.idx.msk [tilespmem:v3+s3+$0x0], $0xffff  }
0x193: {  	v5 =	vld.idx.msk [tilespmem:v5+s29+$0x0], $0xffff;
	_ =	sdelay $0x3  }
0x194: {  	vm15 =	vlt.s32 v4, v2  }
0x195: {  	s28 =	sand.u32 $0xFF0, s8;
	v2 =	vsel vm15, v3, v5  }
0x196: {  	s8 =	simm.s32 @!p0 $0x400;
	s9 =	simm.s32 @!p0 $0x1C800;
	s6 =	simm.s32 @!p0 $0x80;
	[tilespmem:s28+$0x1D800] =	vst v2  }
0x197: {  	[spmem:s21] =	stream.strided.scatter @!p0 [tilespmem:s9], [sflag:$0x1], $0x2000, s8, s6, $0x38;
	[tilespmem:$0x1F800] =	vst v63  }
0x198: {  	s6 =	simm.s32 @!p0 $0x1  }
0x199: {  	_ =	swait.ge @!p0 [sflag:s6], $0x2000  }
0x19a: {  	[sflag:s6] =	ssyncset.done @!p0 $0x0  }
0x19b: {  	[sflag:s6] =	ssyncadd.s32 @!p0 $0xFFFFE000  }
0x19c: {  	[bflag:$0x0] =	sbarrier.arrive $0xFFFF  }
0x19d: {  	s6 =	sshll.u32 @p3 s4, $0x10;
	s2 =	rddreg [dreg:$0x10]  }
0x19e: {  	s8 =	sadd.s32 @p3 s6, s2;
	s2 =	rddreg [dreg:$0x4]  }
0x19f: {  	s9 =	sshrl.u32 @p3 s2, $0x3  }
0x1a0: {  	[hbm:s8], [sflag:s7] =	dma.local @p3 [spmem:s9], $0x2000  }
0x1a1: {  	s8 =	simm.s32 @p3 $0x1  }
0x1a2: {  	_ =	swait.ge @p3 [sflag:s8], $0x2000  }
0x1a3: {  	[sflag:s8] =	ssyncset.done @p3 $0x0  }
0x1a4: {  	s12 =	simm.s32 @!p1 $0x400;
	[sflag:s8] =	ssyncadd.s32 @p3 $0xFFFFE000  }
0x1a5: {  	s13 =	simm.s32 @!p1 $0x1C800;
	s11 =	simm.s32 @!p1 $0x80;
	[bflag:$0x0] =	sbarrier.arrive $0xFFFF  }
0x1a6: {  	[spmem:s21] =	stream.strided.scatter @!p1 [tilespmem:s13], [sflag:$0x1], $0x2000, s12, s11, $0x38;
	[tilespmem:$0x1F800] =	vst v63  }
0x1a7: {  	s11 =	simm.s32 @!p1 $0x1  }
0x1a8: {  	_ =	swait.ge @!p1 [sflag:s11], $0x2000  }
0x1a9: {  	[sflag:s11] =	ssyncset.done @!p1 $0x0  }
0x1aa: {  	[sflag:s11] =	ssyncadd.s32 @!p1 $0xFFFFE000  }
0x1ab: {  	[bflag:$0x0] =	sbarrier.arrive $0xFFFF  }
0x1ac: {  	s2 =	rddreg [dreg:$0x11]  }
0x1ad: {  	s6 =	sadd.s32 @p3 s6, s2  }
0x1ae: {  	[hbm:s6], [sflag:s7] =	dma.local @p3 [spmem:s9], $0x2000  }
0x1af: {  	_ =	swait.ge @p3 [sflag:s8], $0x2000  }
0x1b0: {  	s4 =	sadd.s32 $0x1, s4;
	[sflag:s8] =	ssyncset.done @p3 $0x0  }
0x1b1: {  	[sflag:s8] =	ssyncadd.s32 @p3 $0xFFFFE000;
	p3 =	sne.s32 s4, $0x1A  }
.Ltmp9:
0x1b2: {  	_ = 	snop;
	(pc) =	sbr.rel @p3 .LBB2_2-.Ltmp9, $2  }
0x1b3: {  	_ =	sdelay $0x1  }
0x1b4: {  	[bflag:$0x0] =	sbarrier.arrive $0xFFFF;
	_ =	sdelay $0x1  }
0x1b5: {  	s4 =	rddreg [dreg:$0x19]  }
0x1b6: {  	s2 =	rddreg [dreg:$0x14];
	s4 =	sadd.s32 $0x1, s4  }
0x1b7: {  	p3 =	sne.s32 s4, s2  }
.Ltmp10:
0x1b8: {  	_ = 	snop;
	(pc) =	sbr.rel @p3 .LBB2_1-.Ltmp10, $1  }
0x1b9: {  	_ =	sdelay $0x3  }
0x1ba: {  	_ =	sfence.sel $0x180000  }
0x1bb: {  	[bflag:$0x0] =	sbarrier.arrive $0xFFFF  }
0x1bc: {  	_ =	strace $0x90000047  }
0x1bd: {  	s0 =	stileid.u32;
	[bflag:$0x2] =	sbarrier.arrive $0xFFFF  }
0x1be: {  	p0 =	sne.s32 s0, $0x0;
	s0 =	rddreg [dreg:$0x5]  }
0x1bf: {  	s0 =	sadd.s32 @!p0 $0x100000, s0  }
0x1c0: {  	[sflag:s0] =	ssyncadd.tile.s32 @!p0 $0x1;
	_ =	shalt  }
.Lfunc_end2:
_tile_overlayer_lowered:
.L_overlay_start_2:
0x1c1: {  	(tag) =	ssettag $0x2  }
0x1c2: {  	s0 =	rddreg [dreg:$0x0];
	s2 =	stileid.u32  }
0x1c3: {  	s1 =	rddreg [dreg:$0x1];
	p0 =	sne.s32 s2, $0x0  }
0x1c4: {  	s3 =	rddreg [dreg:$0x2];
	[bflag:$0x3] =	sbarrier.arrive $0xFFFF;
	s2 =	simm.s32 @!p0 $0x1C01  }
0x1c5: {  	[timem:s3], [sflag:s2] =	dma.local @!p0 [hbm:s0], s1  }
0x1c6: {  	s0 =	simm.s32 @!p0 $0x1  }
0x1c7: {  	_ =	swait.ge @!p0 [sflag:s0], s1  }
0x1c8: {  	s1 =	ssub.s32 @!p0 $0x0, s1;
	[sflag:s0] =	ssyncset.done @!p0 $0x0  }
0x1c9: {  	[sflag:s0] =	ssyncadd.s32 @!p0 s1  }
0x1ca: {  	[bflag:$0x3] =	sbarrier.arrive $0xFFFF  }
0x1cb: {  	_ =	shalt  }

</sc_bundles>
